<compile_context>
chip_gen: v7x
topology: tpu7x:2x2x1
jax: 0.10.2.dev20260603
libtpu: 0.0.44.dev20260713+nightly
codegen_flags: <defaults>
</compile_context>

<pallas_src>
import functools

import jax
import jax.numpy as jnp
from jax import lax
from jax.experimental import pallas as pl
from jax.experimental.pallas import tpu as pltpu
from jax.experimental.pallas import tpu_sc as plsc

_K = 8192
_C = 256
_BM = 256
_NC = 2
_NS = 16
_NW = _NC * _NS
_CHUNK = 128


def _sc_gather(emb, idx):
    n = idx.shape[0]
    rows_per_w = n // _NW
    nchunks = rows_per_w // _CHUNK
    mesh = plsc.VectorSubcoreMesh(core_axis_name="c", subcore_axis_name="s",
                                  num_cores=_NC, num_subcores=_NS)

    @functools.partial(
        pl.kernel,
        out_type=jax.ShapeDtypeStruct((n, _C), jnp.float32),
        mesh=mesh,
        scratch_types=[
            pltpu.VMEM((2, _CHUNK), jnp.int32),
            pltpu.VMEM((2, _CHUNK, _C), jnp.float32),
            pltpu.SemaphoreType.DMA,
            pltpu.SemaphoreType.DMA,
            pltpu.SemaphoreType.DMA,
            pltpu.SemaphoreType.DMA,
        ],
    )
    def k(emb_hbm, idx_hbm, out_hbm, idx_v, rows_v, g0, g1, s0, s1):
        wid = lax.axis_index("s") * _NC + lax.axis_index("c")
        base = wid * rows_per_w
        gsem = [g0, g1]
        ssem = [s0, s1]

        def issue_gather(c, b):
            off = base + c * _CHUNK
            pltpu.sync_copy(idx_hbm.at[pl.ds(off, _CHUNK)], idx_v.at[b])
            return pltpu.async_copy(emb_hbm.at[idx_v.at[b]], rows_v.at[b],
                                    gsem[b])

        gathers = [issue_gather(0, 0), None]
        scatters = [None, None]
        for c in range(nchunks):
            b = c % 2
            nb = (c + 1) % 2
            if c + 1 < nchunks:
                if scatters[nb] is not None:
                    scatters[nb].wait()
                    scatters[nb] = None
                gathers[nb] = issue_gather(c + 1, nb)
            gathers[b].wait()
            off = base + c * _CHUNK
            scatters[b] = pltpu.async_copy(
                rows_v.at[b], out_hbm.at[pl.ds(off, _CHUNK)], ssem[b])
        for b in range(2):
            if scatters[b] is not None:
                scatters[b].wait()

    return k(emb, idx)


def _dist_argmin_body(z_ref, eb_ref, z2_ref, e2_ref, idx_ref):
    z = z_ref[...]
    eb = eb_ref[...]
    z2 = z2_ref[0, 0, :].reshape(_BM, 1)
    e2 = e2_ref[...]
    zs = (z * -2.0).astype(jnp.bfloat16)
    mm2 = lax.dot_general(zs, eb, (((1,), (1,)), ((), ())),
                          preferred_element_type=jnp.float32)
    cw = 128
    nc = _K // cw
    best_val = (z2 + e2[:, :cw]) + mm2[:, :cw]
    best_c = jnp.zeros(best_val.shape, jnp.int32)
    for c in range(1, nc):
        d_c = (z2 + e2[:, c * cw:(c + 1) * cw]) + mm2[:, c * cw:(c + 1) * cw]
        lt = d_c < best_val
        best_val = jnp.where(lt, d_c, best_val)
        best_c = jnp.where(lt, jnp.int32(c), best_c)
    pos = lax.broadcasted_iota(jnp.int32, best_val.shape, 1)
    best_idx = best_c * cw + pos
    mn = jnp.min(best_val, axis=1, keepdims=True)
    cand = jnp.where(best_val == mn, best_idx, _K)
    idx = jnp.min(cand, axis=1)
    idx_ref[0, 0, :] = idx


def _st_loss_body(z_ref, zq_ref, out_ref, acc_ref):
    z = z_ref[...]
    zq = zq_ref[...]
    delta = zq - z
    out_ref[...] = z + delta
    acc_ref[0, 0, :] = jnp.sum(delta * delta, axis=0)


def _quantize(z_flat, emb_bf16, z2, e2):
    n = z_flat.shape[0]
    grid = n // _BM
    idx3 = pl.pallas_call(
        _dist_argmin_body,
        grid=(grid,),
        in_specs=[
            pl.BlockSpec((_BM, _C), lambda i: (i, 0)),
            pl.BlockSpec((_K, _C), lambda i: (0, 0)),
            pl.BlockSpec((1, 1, _BM), lambda i: (i, 0, 0)),
            pl.BlockSpec((1, _K), lambda i: (0, 0)),
        ],
        out_specs=pl.BlockSpec((1, 1, _BM), lambda i: (i, 0, 0)),
        out_shape=jax.ShapeDtypeStruct((grid, 1, _BM), jnp.int32),
    )(z_flat, emb_bf16, z2.reshape(grid, 1, _BM), e2.reshape(1, _K))
    return idx3.reshape(n)


def _st_and_loss(z_flat, zq_rows):
    n = z_flat.shape[0]
    bm = 1024
    grid = n // bm
    zq_out, acc = pl.pallas_call(
        _st_loss_body,
        grid=(grid,),
        in_specs=[
            pl.BlockSpec((bm, _C), lambda i: (i, 0)),
            pl.BlockSpec((bm, _C), lambda i: (i, 0)),
        ],
        out_specs=[
            pl.BlockSpec((bm, _C), lambda i: (i, 0)),
            pl.BlockSpec((1, 1, _C), lambda i: (i, 0, 0)),
        ],
        out_shape=[
            jax.ShapeDtypeStruct((n, _C), jnp.float32),
            jax.ShapeDtypeStruct((grid, 1, _C), jnp.float32),
        ],
    )(z_flat, zq_rows)
    return zq_out, jnp.sum(acc)


def kernel(inputs, embedding):
    z = inputs
    B, H, W, C = z.shape
    z_flat = z.reshape(B * H * W, C)
    e2 = jnp.sum(embedding ** 2, axis=-1)
    z2 = jnp.sum(z_flat ** 2, axis=-1, keepdims=True)
    min_ind = _quantize(z_flat, embedding.astype(jnp.bfloat16), z2, e2)
    zq_rows = _sc_gather(embedding, min_ind)
    zq_out, sq_sum = _st_and_loss(z_flat, zq_rows)
    m = sq_sum / (B * H * W * C)
    loss = 0.25 * m + m
    return (zq_out.reshape(B, H, W, C), min_ind.reshape(B, H, W), loss)

# --- scband reference (transcript-rebuilt; emitter-appended) ---
"""Pipeline reference for scband-vqlayer-28329604284939 (READ-ONLY COPY).

The authoritative reference and input builder live on the scoring server;
editing this copy changes nothing except your own understanding.
"""

import jax, jax.numpy as jnp
import numpy as np

LATENT_DIM = 256
LATENT_VECTORS = 8192


def setup_inputs(seed: int = 0) -> dict:
    key = jax.random.key(seed)
    k1, k2 = jax.random.split(key)
    inputs = jax.random.normal(k1, (16, 32, 32, LATENT_DIM), dtype=jnp.float32)
    # flax nn.initializers.normal() default stddev = 0.01
    embedding = jax.random.normal(k2, (LATENT_VECTORS, LATENT_DIM), dtype=jnp.float32) * 0.01
    return {"inputs": inputs, "embedding": embedding}


def reference(inputs, embedding):
    z = inputs
    B, H, W, C = z.shape
    z_flatten = z.reshape(B * H * W, C)
    distances = (jnp.sum(z_flatten ** 2, axis=-1, keepdims=True)
                 + jnp.sum(embedding ** 2, axis=-1)
                 - 2 * jnp.matmul(z_flatten, embedding.T))
    min_ind = jnp.argmin(distances, axis=-1)
    zq = jnp.take(embedding, min_ind, axis=0)
    zq = zq.reshape(B, H, W, C)
    loss = (0.25 * jnp.square(jax.lax.stop_gradient(zq) - z).mean()
            + jnp.square(zq - jax.lax.stop_gradient(z)).mean())
    zq = z + jax.lax.stop_gradient(zq - z)
    return (zq, min_ind.reshape(B, H, W), loss)

if __name__ == "__main__":
    import jax
    _d = setup_inputs()
    print(jax.jit(kernel)(*tuple(_d.values())))

</pallas_src>

<mosaic_0001>
#map = affine_map<(d0, d1) -> (0, 0)>
#map1 = affine_map<(d0, d1) -> (0)>
module attributes {stable_mosaic.version = 14 : i64} {
  func.func @k(%arg0: i32, %arg1: i32, %arg2: memref<8192x256xf32, #tpu.memory_space<hbm>>, %arg3: memref<16384xi32, #tpu.memory_space<hbm>>, %arg4: memref<16384x256xf32, #tpu.memory_space<hbm>>, %arg5: memref<2x128xi32, #tpu.memory_space<vmem>>, %arg6: memref<2x128x256xf32, #tpu.memory_space<vmem>>, %arg7: memref<!tpu.dma_semaphore, #tpu.memory_space<semaphore_mem>>, %arg8: memref<!tpu.dma_semaphore, #tpu.memory_space<semaphore_mem>>, %arg9: memref<!tpu.dma_semaphore, #tpu.memory_space<semaphore_mem>>, %arg10: memref<!tpu.dma_semaphore, #tpu.memory_space<semaphore_mem>>) attributes {dimension_semantics = [#tpu.dimension_semantics<core_parallel>, #tpu.dimension_semantics<subcore_parallel>], iteration_bounds = array<i64: 2, 16>, scalar_prefetch = 0 : i64, scratch_operands = 6 : i64, tpu.core_type = #tpu.core_type<sc_vector_subcore>, window_params = [{transform_indices = #map}, {transform_indices = #map1}, {transform_indices = #map}]} {
    %mul3A = arith.constant 2 : i32
    %mul3A_0 = arith.muli %arg1, %mul3A : i32
    %add3A = arith.addi %mul3A_0, %arg0 : i32
    %mul3A_1 = arith.constant 512 : i32
    %mul3A_2 = arith.muli %add3A, %mul3A_1 : i32
    %add3A_3 = arith.constant 0 : i32
    %add3A_4 = arith.addi %mul3A_2, %add3A_3 : i32
    %run_scoped3A = arith.constant 0 : i32
    "tpu.region"() ({
      %run_scoped3A_220 = tpu.sem_alloc : memref<!tpu.dma_semaphore, #tpu.memory_space<semaphore_mem>>
      %dma_start3A_221 = arith.constant 0 : i32
      %dma_start3A_222 = tpu.memref_slice %arg5[%run_scoped3A, %dma_start3A_221] : memref<2x128xi32, #tpu.memory_space<vmem>> -> memref<1x128xi32, #tpu.memory_space<vmem>>
      %dma_start3A_223 = tpu.memref_squeeze %dma_start3A_222 : memref<1x128xi32, #tpu.memory_space<vmem>> -> memref<128xi32, #tpu.memory_space<vmem>>
      %dma_start3A_224 = tpu.memref_slice %arg3[%add3A_4] : memref<16384xi32, #tpu.memory_space<hbm>> -> memref<128xi32, #tpu.memory_space<hbm>>
      %dma_start3A_225 = arith.constant 0 : i32
      %dma_start3A_226 = tpu.memref_slice %arg5[%run_scoped3A, %dma_start3A_225] : memref<2x128xi32, #tpu.memory_space<vmem>> -> memref<1x128xi32, #tpu.memory_space<vmem>>
      %dma_start3A_227 = tpu.memref_squeeze %dma_start3A_226 : memref<1x128xi32, #tpu.memory_space<vmem>> -> memref<128xi32, #tpu.memory_space<vmem>>
      %dma_start3A_228 = tpu.memref_slice %arg3[%add3A_4] : memref<16384xi32, #tpu.memory_space<hbm>> -> memref<128xi32, #tpu.memory_space<hbm>>
      tpu.enqueue_dma source(%dma_start3A_228 : memref<128xi32, #tpu.memory_space<hbm>>) target(%dma_start3A_227 : memref<128xi32, #tpu.memory_space<vmem>>) target_semaphore(%run_scoped3A_220 : memref<!tpu.dma_semaphore, #tpu.memory_space<semaphore_mem>>)
      %dma_wait3A_229 = arith.constant 0 : i32
      %dma_wait3A_230 = tpu.memref_slice %arg5[%run_scoped3A, %dma_wait3A_229] : memref<2x128xi32, #tpu.memory_space<vmem>> -> memref<1x128xi32, #tpu.memory_space<vmem>>
      %dma_wait3A_231 = tpu.memref_squeeze %dma_wait3A_230 : memref<1x128xi32, #tpu.memory_space<vmem>> -> memref<128xi32, #tpu.memory_space<vmem>>
      %dma_wait3A_232 = tpu.memref_slice %arg3[%add3A_4] : memref<16384xi32, #tpu.memory_space<hbm>> -> memref<128xi32, #tpu.memory_space<hbm>>
      %dma_wait3A_233 = arith.constant 0 : i32
      %dma_wait3A_234 = tpu.memref_slice %arg5[%run_scoped3A, %dma_wait3A_233] : memref<2x128xi32, #tpu.memory_space<vmem>> -> memref<1x128xi32, #tpu.memory_space<vmem>>
      %dma_wait3A_235 = tpu.memref_squeeze %dma_wait3A_234 : memref<1x128xi32, #tpu.memory_space<vmem>> -> memref<128xi32, #tpu.memory_space<vmem>>
      %dma_wait3A_236 = tpu.memref_slice %arg3[%add3A_4] : memref<16384xi32, #tpu.memory_space<hbm>> -> memref<128xi32, #tpu.memory_space<hbm>>
      tpu.wait_dma2 semaphore(%run_scoped3A_220 : memref<!tpu.dma_semaphore, #tpu.memory_space<semaphore_mem>>) src(%dma_wait3A_236 : memref<128xi32, #tpu.memory_space<hbm>>) dst(%dma_wait3A_235 : memref<128xi32, #tpu.memory_space<vmem>>)
      tpu.yield
    }) : () -> ()
    %dma_start3A = arith.constant 0 : i32
    %dma_start3A_5 = arith.constant 0 : i32
    %dma_start3A_6 = arith.constant 0 : i32
    %dma_start3A_7 = arith.constant 0 : i32
    %dma_start3A_8 = tpu.memref_slice %arg6[%dma_start3A_5, %dma_start3A_6, %dma_start3A_7] : memref<2x128x256xf32, #tpu.memory_space<vmem>> -> memref<1x128x256xf32, #tpu.memory_space<vmem>>
    %dma_start3A_9 = tpu.memref_squeeze %dma_start3A_8 : memref<1x128x256xf32, #tpu.memory_space<vmem>> -> memref<128x256xf32, #tpu.memory_space<vmem>>
    %dma_start3A_10 = arith.constant 0 : i32
    %dma_start3A_11 = tpu.memref_slice %arg5[%dma_start3A, %dma_start3A_10] : memref<2x128xi32, #tpu.memory_space<vmem>> -> memref<1x128xi32, #tpu.memory_space<vmem>>
    %dma_start3A_12 = tpu.memref_squeeze %dma_start3A_11 : memref<1x128xi32, #tpu.memory_space<vmem>> -> memref<128xi32, #tpu.memory_space<vmem>>
    %dma_start3A_13 = arith.constant 0 : i32
    %dma_start3A_14 = arith.constant 0 : i32
    %dma_start3A_15 = tpu.memref_slice %arg2[%dma_start3A_13, %dma_start3A_14] : memref<8192x256xf32, #tpu.memory_space<hbm>> -> memref<8192x256xf32, #tpu.memory_space<hbm>>
    tpu.enqueue_indirect_dma source(%dma_start3A_15 : memref<8192x256xf32, #tpu.memory_space<hbm>>) target(%dma_start3A_9 : memref<128x256xf32, #tpu.memory_space<vmem>>) offsets(%dma_start3A_12 : memref<128xi32, #tpu.memory_space<vmem>>) semaphore(%arg7 : memref<!tpu.dma_semaphore, #tpu.memory_space<semaphore_mem>>)
    %add3A_16 = arith.constant 128 : i32
    %add3A_17 = arith.addi %mul3A_2, %add3A_16 : i32
    %run_scoped3A_18 = arith.constant 1 : i32
    "tpu.region"() ({
      %run_scoped3A_220 = tpu.sem_alloc : memref<!tpu.dma_semaphore, #tpu.memory_space<semaphore_mem>>
      %dma_start3A_221 = arith.constant 0 : i32
      %dma_start3A_222 = tpu.memref_slice %arg5[%run_scoped3A_18, %dma_start3A_221] : memref<2x128xi32, #tpu.memory_space<vmem>> -> memref<1x128xi32, #tpu.memory_space<vmem>>
      %dma_start3A_223 = tpu.memref_squeeze %dma_start3A_222 : memref<1x128xi32, #tpu.memory_space<vmem>> -> memref<128xi32, #tpu.memory_space<vmem>>
      %dma_start3A_224 = tpu.memref_slice %arg3[%add3A_17] : memref<16384xi32, #tpu.memory_space<hbm>> -> memref<128xi32, #tpu.memory_space<hbm>>
      %dma_start3A_225 = arith.constant 0 : i32
      %dma_start3A_226 = tpu.memref_slice %arg5[%run_scoped3A_18, %dma_start3A_225] : memref<2x128xi32, #tpu.memory_space<vmem>> -> memref<1x128xi32, #tpu.memory_space<vmem>>
      %dma_start3A_227 = tpu.memref_squeeze %dma_start3A_226 : memref<1x128xi32, #tpu.memory_space<vmem>> -> memref<128xi32, #tpu.memory_space<vmem>>
      %dma_start3A_228 = tpu.memref_slice %arg3[%add3A_17] : memref<16384xi32, #tpu.memory_space<hbm>> -> memref<128xi32, #tpu.memory_space<hbm>>
      tpu.enqueue_dma source(%dma_start3A_228 : memref<128xi32, #tpu.memory_space<hbm>>) target(%dma_start3A_227 : memref<128xi32, #tpu.memory_space<vmem>>) target_semaphore(%run_scoped3A_220 : memref<!tpu.dma_semaphore, #tpu.memory_space<semaphore_mem>>)
      %dma_wait3A_229 = arith.constant 0 : i32
      %dma_wait3A_230 = tpu.memref_slice %arg5[%run_scoped3A_18, %dma_wait3A_229] : memref<2x128xi32, #tpu.memory_space<vmem>> -> memref<1x128xi32, #tpu.memory_space<vmem>>
      %dma_wait3A_231 = tpu.memref_squeeze %dma_wait3A_230 : memref<1x128xi32, #tpu.memory_space<vmem>> -> memref<128xi32, #tpu.memory_space<vmem>>
      %dma_wait3A_232 = tpu.memref_slice %arg3[%add3A_17] : memref<16384xi32, #tpu.memory_space<hbm>> -> memref<128xi32, #tpu.memory_space<hbm>>
      %dma_wait3A_233 = arith.constant 0 : i32
      %dma_wait3A_234 = tpu.memref_slice %arg5[%run_scoped3A_18, %dma_wait3A_233] : memref<2x128xi32, #tpu.memory_space<vmem>> -> memref<1x128xi32, #tpu.memory_space<vmem>>
      %dma_wait3A_235 = tpu.memref_squeeze %dma_wait3A_234 : memref<1x128xi32, #tpu.memory_space<vmem>> -> memref<128xi32, #tpu.memory_space<vmem>>
      %dma_wait3A_236 = tpu.memref_slice %arg3[%add3A_17] : memref<16384xi32, #tpu.memory_space<hbm>> -> memref<128xi32, #tpu.memory_space<hbm>>
      tpu.wait_dma2 semaphore(%run_scoped3A_220 : memref<!tpu.dma_semaphore, #tpu.memory_space<semaphore_mem>>) src(%dma_wait3A_236 : memref<128xi32, #tpu.memory_space<hbm>>) dst(%dma_wait3A_235 : memref<128xi32, #tpu.memory_space<vmem>>)
      tpu.yield
    }) : () -> ()
    %dma_start3A_19 = arith.constant 1 : i32
    %dma_start3A_20 = arith.constant 1 : i32
    %dma_start3A_21 = arith.constant 0 : i32
    %dma_start3A_22 = arith.constant 0 : i32
    %dma_start3A_23 = tpu.memref_slice %arg6[%dma_start3A_20, %dma_start3A_21, %dma_start3A_22] : memref<2x128x256xf32, #tpu.memory_space<vmem>> -> memref<1x128x256xf32, #tpu.memory_space<vmem>>
    %dma_start3A_24 = tpu.memref_squeeze %dma_start3A_23 : memref<1x128x256xf32, #tpu.memory_space<vmem>> -> memref<128x256xf32, #tpu.memory_space<vmem>>
    %dma_start3A_25 = arith.constant 0 : i32
    %dma_start3A_26 = tpu.memref_slice %arg5[%dma_start3A_19, %dma_start3A_25] : memref<2x128xi32, #tpu.memory_space<vmem>> -> memref<1x128xi32, #tpu.memory_space<vmem>>
    %dma_start3A_27 = tpu.memref_squeeze %dma_start3A_26 : memref<1x128xi32, #tpu.memory_space<vmem>> -> memref<128xi32, #tpu.memory_space<vmem>>
    %dma_start3A_28 = arith.constant 0 : i32
    %dma_start3A_29 = arith.constant 0 : i32
    %dma_start3A_30 = tpu.memref_slice %arg2[%dma_start3A_28, %dma_start3A_29] : memref<8192x256xf32, #tpu.memory_space<hbm>> -> memref<8192x256xf32, #tpu.memory_space<hbm>>
    tpu.enqueue_indirect_dma source(%dma_start3A_30 : memref<8192x256xf32, #tpu.memory_space<hbm>>) target(%dma_start3A_24 : memref<128x256xf32, #tpu.memory_space<vmem>>) offsets(%dma_start3A_27 : memref<128xi32, #tpu.memory_space<vmem>>) semaphore(%arg8 : memref<!tpu.dma_semaphore, #tpu.memory_space<semaphore_mem>>)
    %dma_wait3A = arith.constant 0 : i32
    %dma_wait3A_31 = arith.constant 0 : i32
    %dma_wait3A_32 = arith.constant 0 : i32
    %dma_wait3A_33 = arith.constant 0 : i32
    %dma_wait3A_34 = tpu.memref_slice %arg6[%dma_wait3A_31, %dma_wait3A_32, %dma_wait3A_33] : memref<2x128x256xf32, #tpu.memory_space<vmem>> -> memref<1x128x256xf32, #tpu.memory_space<vmem>>
    %dma_wait3A_35 = tpu.memref_squeeze %dma_wait3A_34 : memref<1x128x256xf32, #tpu.memory_space<vmem>> -> memref<128x256xf32, #tpu.memory_space<vmem>>
    %dma_wait3A_36 = arith.constant 0 : i32
    %dma_wait3A_37 = tpu.memref_slice %arg5[%dma_wait3A, %dma_wait3A_36] : memref<2x128xi32, #tpu.memory_space<vmem>> -> memref<1x128xi32, #tpu.memory_space<vmem>>
    %dma_wait3A_38 = tpu.memref_squeeze %dma_wait3A_37 : memref<1x128xi32, #tpu.memory_space<vmem>> -> memref<128xi32, #tpu.memory_space<vmem>>
    %dma_wait3A_39 = arith.constant 0 : i32
    %dma_wait3A_40 = arith.constant 0 : i32
    %dma_wait3A_41 = tpu.memref_slice %arg2[%dma_wait3A_39, %dma_wait3A_40] : memref<8192x256xf32, #tpu.memory_space<hbm>> -> memref<8192x256xf32, #tpu.memory_space<hbm>>
    tpu.wait_indirect_dma semaphore(%arg7 : memref<!tpu.dma_semaphore, #tpu.memory_space<semaphore_mem>>) src(%dma_wait3A_41 : memref<8192x256xf32, #tpu.memory_space<hbm>>) dst(%dma_wait3A_35 : memref<128x256xf32, #tpu.memory_space<vmem>>)
    %add3A_42 = arith.constant 0 : i32
    %add3A_43 = arith.addi %mul3A_2, %add3A_42 : i32
    %dma_start3A_44 = arith.constant 0 : i32
    %dma_start3A_45 = arith.constant 0 : i32
    %dma_start3A_46 = arith.constant 0 : i32
    %dma_start3A_47 = tpu.memref_slice %arg6[%dma_start3A_44, %dma_start3A_45, %dma_start3A_46] : memref<2x128x256xf32, #tpu.memory_space<vmem>> -> memref<1x128x256xf32, #tpu.memory_space<vmem>>
    %dma_start3A_48 = tpu.memref_squeeze %dma_start3A_47 : memref<1x128x256xf32, #tpu.memory_space<vmem>> -> memref<128x256xf32, #tpu.memory_space<vmem>>
    %dma_start3A_49 = arith.constant 0 : i32
    %dma_start3A_50 = tpu.memref_slice %arg4[%add3A_43, %dma_start3A_49] : memref<16384x256xf32, #tpu.memory_space<hbm>> -> memref<128x256xf32, #tpu.memory_space<hbm>>
    %dma_start3A_51 = arith.constant 0 : i32
    %dma_start3A_52 = tpu.memref_slice %arg4[%add3A_43, %dma_start3A_51] : memref<16384x256xf32, #tpu.memory_space<hbm>> -> memref<128x256xf32, #tpu.memory_space<hbm>>
    %dma_start3A_53 = arith.constant 0 : i32
    %dma_start3A_54 = arith.constant 0 : i32
    %dma_start3A_55 = tpu.memref_slice %arg6[%dma_start3A_44, %dma_start3A_53, %dma_start3A_54] : memref<2x128x256xf32, #tpu.memory_space<vmem>> -> memref<1x128x256xf32, #tpu.memory_space<vmem>>
    %dma_start3A_56 = tpu.memref_squeeze %dma_start3A_55 : memref<1x128x256xf32, #tpu.memory_space<vmem>> -> memref<128x256xf32, #tpu.memory_space<vmem>>
    tpu.enqueue_dma source(%dma_start3A_56 : memref<128x256xf32, #tpu.memory_space<vmem>>) target(%dma_start3A_52 : memref<128x256xf32, #tpu.memory_space<hbm>>) target_semaphore(%arg9 : memref<!tpu.dma_semaphore, #tpu.memory_space<semaphore_mem>>)
    %dma_wait3A_57 = arith.constant 0 : i32
    %dma_wait3A_58 = arith.constant 0 : i32
    %dma_wait3A_59 = arith.constant 0 : i32
    %dma_wait3A_60 = tpu.memref_slice %arg6[%dma_wait3A_57, %dma_wait3A_58, %dma_wait3A_59] : memref<2x128x256xf32, #tpu.memory_space<vmem>> -> memref<1x128x256xf32, #tpu.memory_space<vmem>>
    %dma_wait3A_61 = tpu.memref_squeeze %dma_wait3A_60 : memref<1x128x256xf32, #tpu.memory_space<vmem>> -> memref<128x256xf32, #tpu.memory_space<vmem>>
    %dma_wait3A_62 = arith.constant 0 : i32
    %dma_wait3A_63 = tpu.memref_slice %arg4[%add3A_43, %dma_wait3A_62] : memref<16384x256xf32, #tpu.memory_space<hbm>> -> memref<128x256xf32, #tpu.memory_space<hbm>>
    %dma_wait3A_64 = arith.constant 0 : i32
    %dma_wait3A_65 = tpu.memref_slice %arg4[%add3A_43, %dma_wait3A_64] : memref<16384x256xf32, #tpu.memory_space<hbm>> -> memref<128x256xf32, #tpu.memory_space<hbm>>
    %dma_wait3A_66 = arith.constant 0 : i32
    %dma_wait3A_67 = arith.constant 0 : i32
    %dma_wait3A_68 = tpu.memref_slice %arg6[%dma_wait3A_57, %dma_wait3A_66, %dma_wait3A_67] : memref<2x128x256xf32, #tpu.memory_space<vmem>> -> memref<1x128x256xf32, #tpu.memory_space<vmem>>
    %dma_wait3A_69 = tpu.memref_squeeze %dma_wait3A_68 : memref<1x128x256xf32, #tpu.memory_space<vmem>> -> memref<128x256xf32, #tpu.memory_space<vmem>>
    tpu.wait_dma2 semaphore(%arg9 : memref<!tpu.dma_semaphore, #tpu.memory_space<semaphore_mem>>) src(%dma_wait3A_69 : memref<128x256xf32, #tpu.memory_space<vmem>>) dst(%dma_wait3A_65 : memref<128x256xf32, #tpu.memory_space<hbm>>)
    %add3A_70 = arith.constant 256 : i32
    %add3A_71 = arith.addi %mul3A_2, %add3A_70 : i32
    %run_scoped3A_72 = arith.constant 0 : i32
    "tpu.region"() ({
      %run_scoped3A_220 = tpu.sem_alloc : memref<!tpu.dma_semaphore, #tpu.memory_space<semaphore_mem>>
      %dma_start3A_221 = arith.constant 0 : i32
      %dma_start3A_222 = tpu.memref_slice %arg5[%run_scoped3A_72, %dma_start3A_221] : memref<2x128xi32, #tpu.memory_space<vmem>> -> memref<1x128xi32, #tpu.memory_space<vmem>>
      %dma_start3A_223 = tpu.memref_squeeze %dma_start3A_222 : memref<1x128xi32, #tpu.memory_space<vmem>> -> memref<128xi32, #tpu.memory_space<vmem>>
      %dma_start3A_224 = tpu.memref_slice %arg3[%add3A_71] : memref<16384xi32, #tpu.memory_space<hbm>> -> memref<128xi32, #tpu.memory_space<hbm>>
      %dma_start3A_225 = arith.constant 0 : i32
      %dma_start3A_226 = tpu.memref_slice %arg5[%run_scoped3A_72, %dma_start3A_225] : memref<2x128xi32, #tpu.memory_space<vmem>> -> memref<1x128xi32, #tpu.memory_space<vmem>>
      %dma_start3A_227 = tpu.memref_squeeze %dma_start3A_226 : memref<1x128xi32, #tpu.memory_space<vmem>> -> memref<128xi32, #tpu.memory_space<vmem>>
      %dma_start3A_228 = tpu.memref_slice %arg3[%add3A_71] : memref<16384xi32, #tpu.memory_space<hbm>> -> memref<128xi32, #tpu.memory_space<hbm>>
      tpu.enqueue_dma source(%dma_start3A_228 : memref<128xi32, #tpu.memory_space<hbm>>) target(%dma_start3A_227 : memref<128xi32, #tpu.memory_space<vmem>>) target_semaphore(%run_scoped3A_220 : memref<!tpu.dma_semaphore, #tpu.memory_space<semaphore_mem>>)
      %dma_wait3A_229 = arith.constant 0 : i32
      %dma_wait3A_230 = tpu.memref_slice %arg5[%run_scoped3A_72, %dma_wait3A_229] : memref<2x128xi32, #tpu.memory_space<vmem>> -> memref<1x128xi32, #tpu.memory_space<vmem>>
      %dma_wait3A_231 = tpu.memref_squeeze %dma_wait3A_230 : memref<1x128xi32, #tpu.memory_space<vmem>> -> memref<128xi32, #tpu.memory_space<vmem>>
      %dma_wait3A_232 = tpu.memref_slice %arg3[%add3A_71] : memref<16384xi32, #tpu.memory_space<hbm>> -> memref<128xi32, #tpu.memory_space<hbm>>
      %dma_wait3A_233 = arith.constant 0 : i32
      %dma_wait3A_234 = tpu.memref_slice %arg5[%run_scoped3A_72, %dma_wait3A_233] : memref<2x128xi32, #tpu.memory_space<vmem>> -> memref<1x128xi32, #tpu.memory_space<vmem>>
      %dma_wait3A_235 = tpu.memref_squeeze %dma_wait3A_234 : memref<1x128xi32, #tpu.memory_space<vmem>> -> memref<128xi32, #tpu.memory_space<vmem>>
      %dma_wait3A_236 = tpu.memref_slice %arg3[%add3A_71] : memref<16384xi32, #tpu.memory_space<hbm>> -> memref<128xi32, #tpu.memory_space<hbm>>
      tpu.wait_dma2 semaphore(%run_scoped3A_220 : memref<!tpu.dma_semaphore, #tpu.memory_space<semaphore_mem>>) src(%dma_wait3A_236 : memref<128xi32, #tpu.memory_space<hbm>>) dst(%dma_wait3A_235 : memref<128xi32, #tpu.memory_space<vmem>>)
      tpu.yield
    }) : () -> ()
    %dma_start3A_73 = arith.constant 0 : i32
    %dma_start3A_74 = arith.constant 0 : i32
    %dma_start3A_75 = arith.constant 0 : i32
    %dma_start3A_76 = arith.constant 0 : i32
    %dma_start3A_77 = tpu.memref_slice %arg6[%dma_start3A_74, %dma_start3A_75, %dma_start3A_76] : memref<2x128x256xf32, #tpu.memory_space<vmem>> -> memref<1x128x256xf32, #tpu.memory_space<vmem>>
    %dma_start3A_78 = tpu.memref_squeeze %dma_start3A_77 : memref<1x128x256xf32, #tpu.memory_space<vmem>> -> memref<128x256xf32, #tpu.memory_space<vmem>>
    %dma_start3A_79 = arith.constant 0 : i32
    %dma_start3A_80 = tpu.memref_slice %arg5[%dma_start3A_73, %dma_start3A_79] : memref<2x128xi32, #tpu.memory_space<vmem>> -> memref<1x128xi32, #tpu.memory_space<vmem>>
    %dma_start3A_81 = tpu.memref_squeeze %dma_start3A_80 : memref<1x128xi32, #tpu.memory_space<vmem>> -> memref<128xi32, #tpu.memory_space<vmem>>
    %dma_start3A_82 = arith.constant 0 : i32
    %dma_start3A_83 = arith.constant 0 : i32
    %dma_start3A_84 = tpu.memref_slice %arg2[%dma_start3A_82, %dma_start3A_83] : memref<8192x256xf32, #tpu.memory_space<hbm>> -> memref<8192x256xf32, #tpu.memory_space<hbm>>
    tpu.enqueue_indirect_dma source(%dma_start3A_84 : memref<8192x256xf32, #tpu.memory_space<hbm>>) target(%dma_start3A_78 : memref<128x256xf32, #tpu.memory_space<vmem>>) offsets(%dma_start3A_81 : memref<128xi32, #tpu.memory_space<vmem>>) semaphore(%arg7 : memref<!tpu.dma_semaphore, #tpu.memory_space<semaphore_mem>>)
    %dma_wait3A_85 = arith.constant 1 : i32
    %dma_wait3A_86 = arith.constant 1 : i32
    %dma_wait3A_87 = arith.constant 0 : i32
    %dma_wait3A_88 = arith.constant 0 : i32
    %dma_wait3A_89 = tpu.memref_slice %arg6[%dma_wait3A_86, %dma_wait3A_87, %dma_wait3A_88] : memref<2x128x256xf32, #tpu.memory_space<vmem>> -> memref<1x128x256xf32, #tpu.memory_space<vmem>>
    %dma_wait3A_90 = tpu.memref_squeeze %dma_wait3A_89 : memref<1x128x256xf32, #tpu.memory_space<vmem>> -> memref<128x256xf32, #tpu.memory_space<vmem>>
    %dma_wait3A_91 = arith.constant 0 : i32
    %dma_wait3A_92 = tpu.memref_slice %arg5[%dma_wait3A_85, %dma_wait3A_91] : memref<2x128xi32, #tpu.memory_space<vmem>> -> memref<1x128xi32, #tpu.memory_space<vmem>>
    %dma_wait3A_93 = tpu.memref_squeeze %dma_wait3A_92 : memref<1x128xi32, #tpu.memory_space<vmem>> -> memref<128xi32, #tpu.memory_space<vmem>>
    %dma_wait3A_94 = arith.constant 0 : i32
    %dma_wait3A_95 = arith.constant 0 : i32
    %dma_wait3A_96 = tpu.memref_slice %arg2[%dma_wait3A_94, %dma_wait3A_95] : memref<8192x256xf32, #tpu.memory_space<hbm>> -> memref<8192x256xf32, #tpu.memory_space<hbm>>
    tpu.wait_indirect_dma semaphore(%arg8 : memref<!tpu.dma_semaphore, #tpu.memory_space<semaphore_mem>>) src(%dma_wait3A_96 : memref<8192x256xf32, #tpu.memory_space<hbm>>) dst(%dma_wait3A_90 : memref<128x256xf32, #tpu.memory_space<vmem>>)
    %add3A_97 = arith.constant 128 : i32
    %add3A_98 = arith.addi %mul3A_2, %add3A_97 : i32
    %dma_start3A_99 = arith.constant 1 : i32
    %dma_start3A_100 = arith.constant 0 : i32
    %dma_start3A_101 = arith.constant 0 : i32
    %dma_start3A_102 = tpu.memref_slice %arg6[%dma_start3A_99, %dma_start3A_100, %dma_start3A_101] : memref<2x128x256xf32, #tpu.memory_space<vmem>> -> memref<1x128x256xf32, #tpu.memory_space<vmem>>
    %dma_start3A_103 = tpu.memref_squeeze %dma_start3A_102 : memref<1x128x256xf32, #tpu.memory_space<vmem>> -> memref<128x256xf32, #tpu.memory_space<vmem>>
    %dma_start3A_104 = arith.constant 0 : i32
    %dma_start3A_105 = tpu.memref_slice %arg4[%add3A_98, %dma_start3A_104] : memref<16384x256xf32, #tpu.memory_space<hbm>> -> memref<128x256xf32, #tpu.memory_space<hbm>>
    %dma_start3A_106 = arith.constant 0 : i32
    %dma_start3A_107 = tpu.memref_slice %arg4[%add3A_98, %dma_start3A_106] : memref<16384x256xf32, #tpu.memory_space<hbm>> -> memref<128x256xf32, #tpu.memory_space<hbm>>
    %dma_start3A_108 = arith.constant 0 : i32
    %dma_start3A_109 = arith.constant 0 : i32
    %dma_start3A_110 = tpu.memref_slice %arg6[%dma_start3A_99, %dma_start3A_108, %dma_start3A_109] : memref<2x128x256xf32, #tpu.memory_space<vmem>> -> memref<1x128x256xf32, #tpu.memory_space<vmem>>
    %dma_start3A_111 = tpu.memref_squeeze %dma_start3A_110 : memref<1x128x256xf32, #tpu.memory_space<vmem>> -> memref<128x256xf32, #tpu.memory_space<vmem>>
    tpu.enqueue_dma source(%dma_start3A_111 : memref<128x256xf32, #tpu.memory_space<vmem>>) target(%dma_start3A_107 : memref<128x256xf32, #tpu.memory_space<hbm>>) target_semaphore(%arg10 : memref<!tpu.dma_semaphore, #tpu.memory_space<semaphore_mem>>)
    %dma_wait3A_112 = arith.constant 1 : i32
    %dma_wait3A_113 = arith.constant 0 : i32
    %dma_wait3A_114 = arith.constant 0 : i32
    %dma_wait3A_115 = tpu.memref_slice %arg6[%dma_wait3A_112, %dma_wait3A_113, %dma_wait3A_114] : memref<2x128x256xf32, #tpu.memory_space<vmem>> -> memref<1x128x256xf32, #tpu.memory_space<vmem>>
    %dma_wait3A_116 = tpu.memref_squeeze %dma_wait3A_115 : memref<1x128x256xf32, #tpu.memory_space<vmem>> -> memref<128x256xf32, #tpu.memory_space<vmem>>
    %dma_wait3A_117 = arith.constant 0 : i32
    %dma_wait3A_118 = tpu.memref_slice %arg4[%add3A_98, %dma_wait3A_117] : memref<16384x256xf32, #tpu.memory_space<hbm>> -> memref<128x256xf32, #tpu.memory_space<hbm>>
    %dma_wait3A_119 = arith.constant 0 : i32
    %dma_wait3A_120 = tpu.memref_slice %arg4[%add3A_98, %dma_wait3A_119] : memref<16384x256xf32, #tpu.memory_space<hbm>> -> memref<128x256xf32, #tpu.memory_space<hbm>>
    %dma_wait3A_121 = arith.constant 0 : i32
    %dma_wait3A_122 = arith.constant 0 : i32
    %dma_wait3A_123 = tpu.memref_slice %arg6[%dma_wait3A_112, %dma_wait3A_121, %dma_wait3A_122] : memref<2x128x256xf32, #tpu.memory_space<vmem>> -> memref<1x128x256xf32, #tpu.memory_space<vmem>>
    %dma_wait3A_124 = tpu.memref_squeeze %dma_wait3A_123 : memref<1x128x256xf32, #tpu.memory_space<vmem>> -> memref<128x256xf32, #tpu.memory_space<vmem>>
    tpu.wait_dma2 semaphore(%arg10 : memref<!tpu.dma_semaphore, #tpu.memory_space<semaphore_mem>>) src(%dma_wait3A_124 : memref<128x256xf32, #tpu.memory_space<vmem>>) dst(%dma_wait3A_120 : memref<128x256xf32, #tpu.memory_space<hbm>>)
    %add3A_125 = arith.constant 384 : i32
    %add3A_126 = arith.addi %mul3A_2, %add3A_125 : i32
    %run_scoped3A_127 = arith.constant 1 : i32
    "tpu.region"() ({
      %run_scoped3A_220 = tpu.sem_alloc : memref<!tpu.dma_semaphore, #tpu.memory_space<semaphore_mem>>
      %dma_start3A_221 = arith.constant 0 : i32
      %dma_start3A_222 = tpu.memref_slice %arg5[%run_scoped3A_127, %dma_start3A_221] : memref<2x128xi32, #tpu.memory_space<vmem>> -> memref<1x128xi32, #tpu.memory_space<vmem>>
      %dma_start3A_223 = tpu.memref_squeeze %dma_start3A_222 : memref<1x128xi32, #tpu.memory_space<vmem>> -> memref<128xi32, #tpu.memory_space<vmem>>
      %dma_start3A_224 = tpu.memref_slice %arg3[%add3A_126] : memref<16384xi32, #tpu.memory_space<hbm>> -> memref<128xi32, #tpu.memory_space<hbm>>
      %dma_start3A_225 = arith.constant 0 : i32
      %dma_start3A_226 = tpu.memref_slice %arg5[%run_scoped3A_127, %dma_start3A_225] : memref<2x128xi32, #tpu.memory_space<vmem>> -> memref<1x128xi32, #tpu.memory_space<vmem>>
      %dma_start3A_227 = tpu.memref_squeeze %dma_start3A_226 : memref<1x128xi32, #tpu.memory_space<vmem>> -> memref<128xi32, #tpu.memory_space<vmem>>
      %dma_start3A_228 = tpu.memref_slice %arg3[%add3A_126] : memref<16384xi32, #tpu.memory_space<hbm>> -> memref<128xi32, #tpu.memory_space<hbm>>
      tpu.enqueue_dma source(%dma_start3A_228 : memref<128xi32, #tpu.memory_space<hbm>>) target(%dma_start3A_227 : memref<128xi32, #tpu.memory_space<vmem>>) target_semaphore(%run_scoped3A_220 : memref<!tpu.dma_semaphore, #tpu.memory_space<semaphore_mem>>)
      %dma_wait3A_229 = arith.constant 0 : i32
      %dma_wait3A_230 = tpu.memref_slice %arg5[%run_scoped3A_127, %dma_wait3A_229] : memref<2x128xi32, #tpu.memory_space<vmem>> -> memref<1x128xi32, #tpu.memory_space<vmem>>
      %dma_wait3A_231 = tpu.memref_squeeze %dma_wait3A_230 : memref<1x128xi32, #tpu.memory_space<vmem>> -> memref<128xi32, #tpu.memory_space<vmem>>
      %dma_wait3A_232 = tpu.memref_slice %arg3[%add3A_126] : memref<16384xi32, #tpu.memory_space<hbm>> -> memref<128xi32, #tpu.memory_space<hbm>>
      %dma_wait3A_233 = arith.constant 0 : i32
      %dma_wait3A_234 = tpu.memref_slice %arg5[%run_scoped3A_127, %dma_wait3A_233] : memref<2x128xi32, #tpu.memory_space<vmem>> -> memref<1x128xi32, #tpu.memory_space<vmem>>
      %dma_wait3A_235 = tpu.memref_squeeze %dma_wait3A_234 : memref<1x128xi32, #tpu.memory_space<vmem>> -> memref<128xi32, #tpu.memory_space<vmem>>
      %dma_wait3A_236 = tpu.memref_slice %arg3[%add3A_126] : memref<16384xi32, #tpu.memory_space<hbm>> -> memref<128xi32, #tpu.memory_space<hbm>>
      tpu.wait_dma2 semaphore(%run_scoped3A_220 : memref<!tpu.dma_semaphore, #tpu.memory_space<semaphore_mem>>) src(%dma_wait3A_236 : memref<128xi32, #tpu.memory_space<hbm>>) dst(%dma_wait3A_235 : memref<128xi32, #tpu.memory_space<vmem>>)
      tpu.yield
    }) : () -> ()
    %dma_start3A_128 = arith.constant 1 : i32
    %dma_start3A_129 = arith.constant 1 : i32
    %dma_start3A_130 = arith.constant 0 : i32
    %dma_start3A_131 = arith.constant 0 : i32
    %dma_start3A_132 = tpu.memref_slice %arg6[%dma_start3A_129, %dma_start3A_130, %dma_start3A_131] : memref<2x128x256xf32, #tpu.memory_space<vmem>> -> memref<1x128x256xf32, #tpu.memory_space<vmem>>
    %dma_start3A_133 = tpu.memref_squeeze %dma_start3A_132 : memref<1x128x256xf32, #tpu.memory_space<vmem>> -> memref<128x256xf32, #tpu.memory_space<vmem>>
    %dma_start3A_134 = arith.constant 0 : i32
    %dma_start3A_135 = tpu.memref_slice %arg5[%dma_start3A_128, %dma_start3A_134] : memref<2x128xi32, #tpu.memory_space<vmem>> -> memref<1x128xi32, #tpu.memory_space<vmem>>
    %dma_start3A_136 = tpu.memref_squeeze %dma_start3A_135 : memref<1x128xi32, #tpu.memory_space<vmem>> -> memref<128xi32, #tpu.memory_space<vmem>>
    %dma_start3A_137 = arith.constant 0 : i32
    %dma_start3A_138 = arith.constant 0 : i32
    %dma_start3A_139 = tpu.memref_slice %arg2[%dma_start3A_137, %dma_start3A_138] : memref<8192x256xf32, #tpu.memory_space<hbm>> -> memref<8192x256xf32, #tpu.memory_space<hbm>>
    tpu.enqueue_indirect_dma source(%dma_start3A_139 : memref<8192x256xf32, #tpu.memory_space<hbm>>) target(%dma_start3A_133 : memref<128x256xf32, #tpu.memory_space<vmem>>) offsets(%dma_start3A_136 : memref<128xi32, #tpu.memory_space<vmem>>) semaphore(%arg8 : memref<!tpu.dma_semaphore, #tpu.memory_space<semaphore_mem>>)
    %dma_wait3A_140 = arith.constant 0 : i32
    %dma_wait3A_141 = arith.constant 0 : i32
    %dma_wait3A_142 = arith.constant 0 : i32
    %dma_wait3A_143 = arith.constant 0 : i32
    %dma_wait3A_144 = tpu.memref_slice %arg6[%dma_wait3A_141, %dma_wait3A_142, %dma_wait3A_143] : memref<2x128x256xf32, #tpu.memory_space<vmem>> -> memref<1x128x256xf32, #tpu.memory_space<vmem>>
    %dma_wait3A_145 = tpu.memref_squeeze %dma_wait3A_144 : memref<1x128x256xf32, #tpu.memory_space<vmem>> -> memref<128x256xf32, #tpu.memory_space<vmem>>
    %dma_wait3A_146 = arith.constant 0 : i32
    %dma_wait3A_147 = tpu.memref_slice %arg5[%dma_wait3A_140, %dma_wait3A_146] : memref<2x128xi32, #tpu.memory_space<vmem>> -> memref<1x128xi32, #tpu.memory_space<vmem>>
    %dma_wait3A_148 = tpu.memref_squeeze %dma_wait3A_147 : memref<1x128xi32, #tpu.memory_space<vmem>> -> memref<128xi32, #tpu.memory_space<vmem>>
    %dma_wait3A_149 = arith.constant 0 : i32
    %dma_wait3A_150 = arith.constant 0 : i32
    %dma_wait3A_151 = tpu.memref_slice %arg2[%dma_wait3A_149, %dma_wait3A_150] : memref<8192x256xf32, #tpu.memory_space<hbm>> -> memref<8192x256xf32, #tpu.memory_space<hbm>>
    tpu.wait_indirect_dma semaphore(%arg7 : memref<!tpu.dma_semaphore, #tpu.memory_space<semaphore_mem>>) src(%dma_wait3A_151 : memref<8192x256xf32, #tpu.memory_space<hbm>>) dst(%dma_wait3A_145 : memref<128x256xf32, #tpu.memory_space<vmem>>)
    %add3A_152 = arith.constant 256 : i32
    %add3A_153 = arith.addi %mul3A_2, %add3A_152 : i32
    %dma_start3A_154 = arith.constant 0 : i32
    %dma_start3A_155 = arith.constant 0 : i32
    %dma_start3A_156 = arith.constant 0 : i32
    %dma_start3A_157 = tpu.memref_slice %arg6[%dma_start3A_154, %dma_start3A_155, %dma_start3A_156] : memref<2x128x256xf32, #tpu.memory_space<vmem>> -> memref<1x128x256xf32, #tpu.memory_space<vmem>>
    %dma_start3A_158 = tpu.memref_squeeze %dma_start3A_157 : memref<1x128x256xf32, #tpu.memory_space<vmem>> -> memref<128x256xf32, #tpu.memory_space<vmem>>
    %dma_start3A_159 = arith.constant 0 : i32
    %dma_start3A_160 = tpu.memref_slice %arg4[%add3A_153, %dma_start3A_159] : memref<16384x256xf32, #tpu.memory_space<hbm>> -> memref<128x256xf32, #tpu.memory_space<hbm>>
    %dma_start3A_161 = arith.constant 0 : i32
    %dma_start3A_162 = tpu.memref_slice %arg4[%add3A_153, %dma_start3A_161] : memref<16384x256xf32, #tpu.memory_space<hbm>> -> memref<128x256xf32, #tpu.memory_space<hbm>>
    %dma_start3A_163 = arith.constant 0 : i32
    %dma_start3A_164 = arith.constant 0 : i32
    %dma_start3A_165 = tpu.memref_slice %arg6[%dma_start3A_154, %dma_start3A_163, %dma_start3A_164] : memref<2x128x256xf32, #tpu.memory_space<vmem>> -> memref<1x128x256xf32, #tpu.memory_space<vmem>>
    %dma_start3A_166 = tpu.memref_squeeze %dma_start3A_165 : memref<1x128x256xf32, #tpu.memory_space<vmem>> -> memref<128x256xf32, #tpu.memory_space<vmem>>
    tpu.enqueue_dma source(%dma_start3A_166 : memref<128x256xf32, #tpu.memory_space<vmem>>) target(%dma_start3A_162 : memref<128x256xf32, #tpu.memory_space<hbm>>) target_semaphore(%arg9 : memref<!tpu.dma_semaphore, #tpu.memory_space<semaphore_mem>>)
    %dma_wait3A_167 = arith.constant 1 : i32
    %dma_wait3A_168 = arith.constant 1 : i32
    %dma_wait3A_169 = arith.constant 0 : i32
    %dma_wait3A_170 = arith.constant 0 : i32
    %dma_wait3A_171 = tpu.memref_slice %arg6[%dma_wait3A_168, %dma_wait3A_169, %dma_wait3A_170] : memref<2x128x256xf32, #tpu.memory_space<vmem>> -> memref<1x128x256xf32, #tpu.memory_space<vmem>>
    %dma_wait3A_172 = tpu.memref_squeeze %dma_wait3A_171 : memref<1x128x256xf32, #tpu.memory_space<vmem>> -> memref<128x256xf32, #tpu.memory_space<vmem>>
    %dma_wait3A_173 = arith.constant 0 : i32
    %dma_wait3A_174 = tpu.memref_slice %arg5[%dma_wait3A_167, %dma_wait3A_173] : memref<2x128xi32, #tpu.memory_space<vmem>> -> memref<1x128xi32, #tpu.memory_space<vmem>>
    %dma_wait3A_175 = tpu.memref_squeeze %dma_wait3A_174 : memref<1x128xi32, #tpu.memory_space<vmem>> -> memref<128xi32, #tpu.memory_space<vmem>>
    %dma_wait3A_176 = arith.constant 0 : i32
    %dma_wait3A_177 = arith.constant 0 : i32
    %dma_wait3A_178 = tpu.memref_slice %arg2[%dma_wait3A_176, %dma_wait3A_177] : memref<8192x256xf32, #tpu.memory_space<hbm>> -> memref<8192x256xf32, #tpu.memory_space<hbm>>
    tpu.wait_indirect_dma semaphore(%arg8 : memref<!tpu.dma_semaphore, #tpu.memory_space<semaphore_mem>>) src(%dma_wait3A_178 : memref<8192x256xf32, #tpu.memory_space<hbm>>) dst(%dma_wait3A_172 : memref<128x256xf32, #tpu.memory_space<vmem>>)
    %add3A_179 = arith.constant 384 : i32
    %add3A_180 = arith.addi %mul3A_2, %add3A_179 : i32
    %dma_start3A_181 = arith.constant 1 : i32
    %dma_start3A_182 = arith.constant 0 : i32
    %dma_start3A_183 = arith.constant 0 : i32
    %dma_start3A_184 = tpu.memref_slice %arg6[%dma_start3A_181, %dma_start3A_182, %dma_start3A_183] : memref<2x128x256xf32, #tpu.memory_space<vmem>> -> memref<1x128x256xf32, #tpu.memory_space<vmem>>
    %dma_start3A_185 = tpu.memref_squeeze %dma_start3A_184 : memref<1x128x256xf32, #tpu.memory_space<vmem>> -> memref<128x256xf32, #tpu.memory_space<vmem>>
    %dma_start3A_186 = arith.constant 0 : i32
    %dma_start3A_187 = tpu.memref_slice %arg4[%add3A_180, %dma_start3A_186] : memref<16384x256xf32, #tpu.memory_space<hbm>> -> memref<128x256xf32, #tpu.memory_space<hbm>>
    %dma_start3A_188 = arith.constant 0 : i32
    %dma_start3A_189 = tpu.memref_slice %arg4[%add3A_180, %dma_start3A_188] : memref<16384x256xf32, #tpu.memory_space<hbm>> -> memref<128x256xf32, #tpu.memory_space<hbm>>
    %dma_start3A_190 = arith.constant 0 : i32
    %dma_start3A_191 = arith.constant 0 : i32
    %dma_start3A_192 = tpu.memref_slice %arg6[%dma_start3A_181, %dma_start3A_190, %dma_start3A_191] : memref<2x128x256xf32, #tpu.memory_space<vmem>> -> memref<1x128x256xf32, #tpu.memory_space<vmem>>
    %dma_start3A_193 = tpu.memref_squeeze %dma_start3A_192 : memref<1x128x256xf32, #tpu.memory_space<vmem>> -> memref<128x256xf32, #tpu.memory_space<vmem>>
    tpu.enqueue_dma source(%dma_start3A_193 : memref<128x256xf32, #tpu.memory_space<vmem>>) target(%dma_start3A_189 : memref<128x256xf32, #tpu.memory_space<hbm>>) target_semaphore(%arg10 : memref<!tpu.dma_semaphore, #tpu.memory_space<semaphore_mem>>)
    %dma_wait3A_194 = arith.constant 0 : i32
    %dma_wait3A_195 = arith.constant 0 : i32
    %dma_wait3A_196 = arith.constant 0 : i32
    %dma_wait3A_197 = tpu.memref_slice %arg6[%dma_wait3A_194, %dma_wait3A_195, %dma_wait3A_196] : memref<2x128x256xf32, #tpu.memory_space<vmem>> -> memref<1x128x256xf32, #tpu.memory_space<vmem>>
    %dma_wait3A_198 = tpu.memref_squeeze %dma_wait3A_197 : memref<1x128x256xf32, #tpu.memory_space<vmem>> -> memref<128x256xf32, #tpu.memory_space<vmem>>
    %dma_wait3A_199 = arith.constant 0 : i32
    %dma_wait3A_200 = tpu.memref_slice %arg4[%add3A_153, %dma_wait3A_199] : memref<16384x256xf32, #tpu.memory_space<hbm>> -> memref<128x256xf32, #tpu.memory_space<hbm>>
    %dma_wait3A_201 = arith.constant 0 : i32
    %dma_wait3A_202 = tpu.memref_slice %arg4[%add3A_153, %dma_wait3A_201] : memref<16384x256xf32, #tpu.memory_space<hbm>> -> memref<128x256xf32, #tpu.memory_space<hbm>>
    %dma_wait3A_203 = arith.constant 0 : i32
    %dma_wait3A_204 = arith.constant 0 : i32
    %dma_wait3A_205 = tpu.memref_slice %arg6[%dma_wait3A_194, %dma_wait3A_203, %dma_wait3A_204] : memref<2x128x256xf32, #tpu.memory_space<vmem>> -> memref<1x128x256xf32, #tpu.memory_space<vmem>>
    %dma_wait3A_206 = tpu.memref_squeeze %dma_wait3A_205 : memref<1x128x256xf32, #tpu.memory_space<vmem>> -> memref<128x256xf32, #tpu.memory_space<vmem>>
    tpu.wait_dma2 semaphore(%arg9 : memref<!tpu.dma_semaphore, #tpu.memory_space<semaphore_mem>>) src(%dma_wait3A_206 : memref<128x256xf32, #tpu.memory_space<vmem>>) dst(%dma_wait3A_202 : memref<128x256xf32, #tpu.memory_space<hbm>>)
    %dma_wait3A_207 = arith.constant 1 : i32
    %dma_wait3A_208 = arith.constant 0 : i32
    %dma_wait3A_209 = arith.constant 0 : i32
    %dma_wait3A_210 = tpu.memref_slice %arg6[%dma_wait3A_207, %dma_wait3A_208, %dma_wait3A_209] : memref<2x128x256xf32, #tpu.memory_space<vmem>> -> memref<1x128x256xf32, #tpu.memory_space<vmem>>
    %dma_wait3A_211 = tpu.memref_squeeze %dma_wait3A_210 : memref<1x128x256xf32, #tpu.memory_space<vmem>> -> memref<128x256xf32, #tpu.memory_space<vmem>>
    %dma_wait3A_212 = arith.constant 0 : i32
    %dma_wait3A_213 = tpu.memref_slice %arg4[%add3A_180, %dma_wait3A_212] : memref<16384x256xf32, #tpu.memory_space<hbm>> -> memref<128x256xf32, #tpu.memory_space<hbm>>
    %dma_wait3A_214 = arith.constant 0 : i32
    %dma_wait3A_215 = tpu.memref_slice %arg4[%add3A_180, %dma_wait3A_214] : memref<16384x256xf32, #tpu.memory_space<hbm>> -> memref<128x256xf32, #tpu.memory_space<hbm>>
    %dma_wait3A_216 = arith.constant 0 : i32
    %dma_wait3A_217 = arith.constant 0 : i32
    %dma_wait3A_218 = tpu.memref_slice %arg6[%dma_wait3A_207, %dma_wait3A_216, %dma_wait3A_217] : memref<2x128x256xf32, #tpu.memory_space<vmem>> -> memref<1x128x256xf32, #tpu.memory_space<vmem>>
    %dma_wait3A_219 = tpu.memref_squeeze %dma_wait3A_218 : memref<1x128x256xf32, #tpu.memory_space<vmem>> -> memref<128x256xf32, #tpu.memory_space<vmem>>
    tpu.wait_dma2 semaphore(%arg10 : memref<!tpu.dma_semaphore, #tpu.memory_space<semaphore_mem>>) src(%dma_wait3A_219 : memref<128x256xf32, #tpu.memory_space<vmem>>) dst(%dma_wait3A_215 : memref<128x256xf32, #tpu.memory_space<hbm>>)
    return
  }
}

module attributes {stable_mosaic.version = 14 : i64} {
  func.func @_dist_argmin_body(%arg0: i32, %arg1: memref<256x256xf32, #tpu.memory_space<vmem>>, %arg2: memref<8192x256xbf16, #tpu.memory_space<vmem>>, %arg3: memref<1x1x256xf32, #tpu.memory_space<vmem>>, %arg4: memref<1x8192xf32, #tpu.memory_space<vmem>>, %arg5: memref<1x1x256xi32, #tpu.memory_space<vmem>>) attributes {dimension_semantics = [#tpu.dimension_semantics<arbitrary>], iteration_bounds = array<i64: 64>, scalar_prefetch = 0 : i64, scratch_operands = 0 : i64, tpu.core_type = #tpu.core_type<tc>, window_params = [{transform_indices = @transform_0, window_bounds = array<i64: 256, 256>}, {pipeline_mode = #tpu.pipeline_mode<synchronous>, transform_indices = @transform_1, window_bounds = array<i64: 8192, 256>}, {transform_indices = @transform_2, window_bounds = array<i64: 1, 1, 256>}, {pipeline_mode = #tpu.pipeline_mode<synchronous>, transform_indices = @transform_3, window_bounds = array<i64: 1, 8192>}, {transform_indices = @transform_4, window_bounds = array<i64: 1, 1, 256>}]} {
    %get3A = arith.constant 0 : index
    %get3A_0 = arith.constant 0 : index
    %get3A_1 = vector.load %arg1[%get3A, %get3A_0] : memref<256x256xf32, #tpu.memory_space<vmem>>, vector<256x256xf32>
    %get3A_2 = arith.constant 0 : index
    %get3A_3 = arith.constant 0 : index
    %get3A_4 = vector.load %arg2[%get3A_2, %get3A_3] : memref<8192x256xbf16, #tpu.memory_space<vmem>>, vector<8192x256xbf16>
    %get3A_5 = arith.constant 0 : index
    %get3A_6 = arith.constant 0 : index
    %get3A_7 = arith.constant 0 : index
    %get3A_8 = vector.load %arg3[%get3A_5, %get3A_6, %get3A_7] : memref<1x1x256xf32, #tpu.memory_space<vmem>>, vector<1x1x256xf32>
    %get3A_9 = vector.shape_cast %get3A_8 : vector<1x1x256xf32> to vector<256xf32>
    %reshape3A = vector.shape_cast %get3A_9 : vector<256xf32> to vector<256x1xf32>
    %get3A_10 = arith.constant 0 : index
    %get3A_11 = arith.constant 0 : index
    %get3A_12 = vector.load %arg4[%get3A_10, %get3A_11] : memref<1x8192xf32, #tpu.memory_space<vmem>>, vector<1x8192xf32>
    %mul3A = arith.constant -2.000000e+00 : f32
    %mul3A_13 = vector.broadcast %mul3A : f32 to vector<256x256xf32>
    %mul3A_14 = arith.mulf %get3A_1, %mul3A_13 : vector<256x256xf32>
    %convert_element_type3A = arith.truncf %mul3A_14 : vector<256x256xf32> to vector<256x256xbf16>
    %dot_general3A = arith.constant dense<0.000000e+00> : vector<256x8192xf32>
    %dot_general3A_15 = tpu.matmul %convert_element_type3A, %get3A_4, %dot_general3A {dimension_numbers = #tpu.dot_dimension_numbers<[1], [1], [0], [0], [0, 0, 1, 0], [], []>, transpose_lhs_hint = false} : vector<256x256xbf16>, vector<8192x256xbf16>, vector<256x8192xf32> -> vector<256x8192xf32>
    %slice3A = vector.extract_strided_slice %get3A_12 {offsets = [0, 0], sizes = [1, 128], strides = [1, 1]} : vector<1x8192xf32> to vector<1x128xf32>
    %add3A = vector.broadcast %reshape3A : vector<256x1xf32> to vector<256x128xf32>
    %add3A_16 = vector.broadcast %slice3A : vector<1x128xf32> to vector<256x128xf32>
    %add3A_17 = arith.addf %add3A, %add3A_16 : vector<256x128xf32>
    %slice3A_18 = vector.extract_strided_slice %dot_general3A_15 {offsets = [0, 0], sizes = [256, 128], strides = [1, 1]} : vector<256x8192xf32> to vector<256x128xf32>
    %add3A_19 = arith.addf %add3A_17, %slice3A_18 : vector<256x128xf32>
    %broadcast_in_dim3A = arith.constant 0 : i32
    %broadcast_in_dim3A_20 = vector.broadcast %broadcast_in_dim3A : i32 to vector<256x128xi32>
    %slice3A_21 = vector.extract_strided_slice %get3A_12 {offsets = [0, 128], sizes = [1, 128], strides = [1, 1]} : vector<1x8192xf32> to vector<1x128xf32>
    %add3A_22 = vector.broadcast %reshape3A : vector<256x1xf32> to vector<256x128xf32>
    %add3A_23 = vector.broadcast %slice3A_21 : vector<1x128xf32> to vector<256x128xf32>
    %add3A_24 = arith.addf %add3A_22, %add3A_23 : vector<256x128xf32>
    %slice3A_25 = vector.extract_strided_slice %dot_general3A_15 {offsets = [0, 128], sizes = [256, 128], strides = [1, 1]} : vector<256x8192xf32> to vector<256x128xf32>
    %add3A_26 = arith.addf %add3A_24, %slice3A_25 : vector<256x128xf32>
    %lt3A = arith.cmpf olt, %add3A_26, %add3A_19 : vector<256x128xf32>
    %select_n3A = arith.select %lt3A, %add3A_26, %add3A_19 : vector<256x128xi1>, vector<256x128xf32>
    %jit3A = arith.constant 1 : i32
    %broadcast_in_dim3A_27 = vector.broadcast %jit3A : i32 to vector<256x128xi32>
    %select_n3A_28 = arith.select %lt3A, %broadcast_in_dim3A_27, %broadcast_in_dim3A_20 : vector<256x128xi1>, vector<256x128xi32>
    %slice3A_29 = vector.extract_strided_slice %get3A_12 {offsets = [0, 256], sizes = [1, 128], strides = [1, 1]} : vector<1x8192xf32> to vector<1x128xf32>
    %add3A_30 = vector.broadcast %reshape3A : vector<256x1xf32> to vector<256x128xf32>
    %add3A_31 = vector.broadcast %slice3A_29 : vector<1x128xf32> to vector<256x128xf32>
    %add3A_32 = arith.addf %add3A_30, %add3A_31 : vector<256x128xf32>
    %slice3A_33 = vector.extract_strided_slice %dot_general3A_15 {offsets = [0, 256], sizes = [256, 128], strides = [1, 1]} : vector<256x8192xf32> to vector<256x128xf32>
    %add3A_34 = arith.addf %add3A_32, %slice3A_33 : vector<256x128xf32>
    %lt3A_35 = arith.cmpf olt, %add3A_34, %select_n3A : vector<256x128xf32>
    %select_n3A_36 = arith.select %lt3A_35, %add3A_34, %select_n3A : vector<256x128xi1>, vector<256x128xf32>
    %jit3A_37 = arith.constant 2 : i32
    %broadcast_in_dim3A_38 = vector.broadcast %jit3A_37 : i32 to vector<256x128xi32>
    %select_n3A_39 = arith.select %lt3A_35, %broadcast_in_dim3A_38, %select_n3A_28 : vector<256x128xi1>, vector<256x128xi32>
    %slice3A_40 = vector.extract_strided_slice %get3A_12 {offsets = [0, 384], sizes = [1, 128], strides = [1, 1]} : vector<1x8192xf32> to vector<1x128xf32>
    %add3A_41 = vector.broadcast %reshape3A : vector<256x1xf32> to vector<256x128xf32>
    %add3A_42 = vector.broadcast %slice3A_40 : vector<1x128xf32> to vector<256x128xf32>
    %add3A_43 = arith.addf %add3A_41, %add3A_42 : vector<256x128xf32>
    %slice3A_44 = vector.extract_strided_slice %dot_general3A_15 {offsets = [0, 384], sizes = [256, 128], strides = [1, 1]} : vector<256x8192xf32> to vector<256x128xf32>
    %add3A_45 = arith.addf %add3A_43, %slice3A_44 : vector<256x128xf32>
    %lt3A_46 = arith.cmpf olt, %add3A_45, %select_n3A_36 : vector<256x128xf32>
    %select_n3A_47 = arith.select %lt3A_46, %add3A_45, %select_n3A_36 : vector<256x128xi1>, vector<256x128xf32>
    %jit3A_48 = arith.constant 3 : i32
    %broadcast_in_dim3A_49 = vector.broadcast %jit3A_48 : i32 to vector<256x128xi32>
    %select_n3A_50 = arith.select %lt3A_46, %broadcast_in_dim3A_49, %select_n3A_39 : vector<256x128xi1>, vector<256x128xi32>
    %slice3A_51 = vector.extract_strided_slice %get3A_12 {offsets = [0, 512], sizes = [1, 128], strides = [1, 1]} : vector<1x8192xf32> to vector<1x128xf32>
    %add3A_52 = vector.broadcast %reshape3A : vector<256x1xf32> to vector<256x128xf32>
    %add3A_53 = vector.broadcast %slice3A_51 : vector<1x128xf32> to vector<256x128xf32>
    %add3A_54 = arith.addf %add3A_52, %add3A_53 : vector<256x128xf32>
    %slice3A_55 = vector.extract_strided_slice %dot_general3A_15 {offsets = [0, 512], sizes = [256, 128], strides = [1, 1]} : vector<256x8192xf32> to vector<256x128xf32>
    %add3A_56 = arith.addf %add3A_54, %slice3A_55 : vector<256x128xf32>
    %lt3A_57 = arith.cmpf olt, %add3A_56, %select_n3A_47 : vector<256x128xf32>
    %select_n3A_58 = arith.select %lt3A_57, %add3A_56, %select_n3A_47 : vector<256x128xi1>, vector<256x128xf32>
    %jit3A_59 = arith.constant 4 : i32
    %broadcast_in_dim3A_60 = vector.broadcast %jit3A_59 : i32 to vector<256x128xi32>
    %select_n3A_61 = arith.select %lt3A_57, %broadcast_in_dim3A_60, %select_n3A_50 : vector<256x128xi1>, vector<256x128xi32>
    %slice3A_62 = vector.extract_strided_slice %get3A_12 {offsets = [0, 640], sizes = [1, 128], strides = [1, 1]} : vector<1x8192xf32> to vector<1x128xf32>
    %add3A_63 = vector.broadcast %reshape3A : vector<256x1xf32> to vector<256x128xf32>
    %add3A_64 = vector.broadcast %slice3A_62 : vector<1x128xf32> to vector<256x128xf32>
    %add3A_65 = arith.addf %add3A_63, %add3A_64 : vector<256x128xf32>
    %slice3A_66 = vector.extract_strided_slice %dot_general3A_15 {offsets = [0, 640], sizes = [256, 128], strides = [1, 1]} : vector<256x8192xf32> to vector<256x128xf32>
    %add3A_67 = arith.addf %add3A_65, %slice3A_66 : vector<256x128xf32>
    %lt3A_68 = arith.cmpf olt, %add3A_67, %select_n3A_58 : vector<256x128xf32>
    %select_n3A_69 = arith.select %lt3A_68, %add3A_67, %select_n3A_58 : vector<256x128xi1>, vector<256x128xf32>
    %jit3A_70 = arith.constant 5 : i32
    %broadcast_in_dim3A_71 = vector.broadcast %jit3A_70 : i32 to vector<256x128xi32>
    %select_n3A_72 = arith.select %lt3A_68, %broadcast_in_dim3A_71, %select_n3A_61 : vector<256x128xi1>, vector<256x128xi32>
    %slice3A_73 = vector.extract_strided_slice %get3A_12 {offsets = [0, 768], sizes = [1, 128], strides = [1, 1]} : vector<1x8192xf32> to vector<1x128xf32>
    %add3A_74 = vector.broadcast %reshape3A : vector<256x1xf32> to vector<256x128xf32>
    %add3A_75 = vector.broadcast %slice3A_73 : vector<1x128xf32> to vector<256x128xf32>
    %add3A_76 = arith.addf %add3A_74, %add3A_75 : vector<256x128xf32>
    %slice3A_77 = vector.extract_strided_slice %dot_general3A_15 {offsets = [0, 768], sizes = [256, 128], strides = [1, 1]} : vector<256x8192xf32> to vector<256x128xf32>
    %add3A_78 = arith.addf %add3A_76, %slice3A_77 : vector<256x128xf32>
    %lt3A_79 = arith.cmpf olt, %add3A_78, %select_n3A_69 : vector<256x128xf32>
    %select_n3A_80 = arith.select %lt3A_79, %add3A_78, %select_n3A_69 : vector<256x128xi1>, vector<256x128xf32>
    %jit3A_81 = arith.constant 6 : i32
    %broadcast_in_dim3A_82 = vector.broadcast %jit3A_81 : i32 to vector<256x128xi32>
    %select_n3A_83 = arith.select %lt3A_79, %broadcast_in_dim3A_82, %select_n3A_72 : vector<256x128xi1>, vector<256x128xi32>
    %slice3A_84 = vector.extract_strided_slice %get3A_12 {offsets = [0, 896], sizes = [1, 128], strides = [1, 1]} : vector<1x8192xf32> to vector<1x128xf32>
    %add3A_85 = vector.broadcast %reshape3A : vector<256x1xf32> to vector<256x128xf32>
    %add3A_86 = vector.broadcast %slice3A_84 : vector<1x128xf32> to vector<256x128xf32>
    %add3A_87 = arith.addf %add3A_85, %add3A_86 : vector<256x128xf32>
    %slice3A_88 = vector.extract_strided_slice %dot_general3A_15 {offsets = [0, 896], sizes = [256, 128], strides = [1, 1]} : vector<256x8192xf32> to vector<256x128xf32>
    %add3A_89 = arith.addf %add3A_87, %slice3A_88 : vector<256x128xf32>
    %lt3A_90 = arith.cmpf olt, %add3A_89, %select_n3A_80 : vector<256x128xf32>
    %select_n3A_91 = arith.select %lt3A_90, %add3A_89, %select_n3A_80 : vector<256x128xi1>, vector<256x128xf32>
    %jit3A_92 = arith.constant 7 : i32
    %broadcast_in_dim3A_93 = vector.broadcast %jit3A_92 : i32 to vector<256x128xi32>
    %select_n3A_94 = arith.select %lt3A_90, %broadcast_in_dim3A_93, %select_n3A_83 : vector<256x128xi1>, vector<256x128xi32>
    %slice3A_95 = vector.extract_strided_slice %get3A_12 {offsets = [0, 1024], sizes = [1, 128], strides = [1, 1]} : vector<1x8192xf32> to vector<1x128xf32>
    %add3A_96 = vector.broadcast %reshape3A : vector<256x1xf32> to vector<256x128xf32>
    %add3A_97 = vector.broadcast %slice3A_95 : vector<1x128xf32> to vector<256x128xf32>
    %add3A_98 = arith.addf %add3A_96, %add3A_97 : vector<256x128xf32>
    %slice3A_99 = vector.extract_strided_slice %dot_general3A_15 {offsets = [0, 1024], sizes = [256, 128], strides = [1, 1]} : vector<256x8192xf32> to vector<256x128xf32>
    %add3A_100 = arith.addf %add3A_98, %slice3A_99 : vector<256x128xf32>
    %lt3A_101 = arith.cmpf olt, %add3A_100, %select_n3A_91 : vector<256x128xf32>
    %select_n3A_102 = arith.select %lt3A_101, %add3A_100, %select_n3A_91 : vector<256x128xi1>, vector<256x128xf32>
    %jit3A_103 = arith.constant 8 : i32
    %broadcast_in_dim3A_104 = vector.broadcast %jit3A_103 : i32 to vector<256x128xi32>
    %select_n3A_105 = arith.select %lt3A_101, %broadcast_in_dim3A_104, %select_n3A_94 : vector<256x128xi1>, vector<256x128xi32>
    %slice3A_106 = vector.extract_strided_slice %get3A_12 {offsets = [0, 1152], sizes = [1, 128], strides = [1, 1]} : vector<1x8192xf32> to vector<1x128xf32>
    %add3A_107 = vector.broadcast %reshape3A : vector<256x1xf32> to vector<256x128xf32>
    %add3A_108 = vector.broadcast %slice3A_106 : vector<1x128xf32> to vector<256x128xf32>
    %add3A_109 = arith.addf %add3A_107, %add3A_108 : vector<256x128xf32>
    %slice3A_110 = vector.extract_strided_slice %dot_general3A_15 {offsets = [0, 1152], sizes = [256, 128], strides = [1, 1]} : vector<256x8192xf32> to vector<256x128xf32>
    %add3A_111 = arith.addf %add3A_109, %slice3A_110 : vector<256x128xf32>
    %lt3A_112 = arith.cmpf olt, %add3A_111, %select_n3A_102 : vector<256x128xf32>
    %select_n3A_113 = arith.select %lt3A_112, %add3A_111, %select_n3A_102 : vector<256x128xi1>, vector<256x128xf32>
    %jit3A_114 = arith.constant 9 : i32
    %broadcast_in_dim3A_115 = vector.broadcast %jit3A_114 : i32 to vector<256x128xi32>
    %select_n3A_116 = arith.select %lt3A_112, %broadcast_in_dim3A_115, %select_n3A_105 : vector<256x128xi1>, vector<256x128xi32>
    %slice3A_117 = vector.extract_strided_slice %get3A_12 {offsets = [0, 1280], sizes = [1, 128], strides = [1, 1]} : vector<1x8192xf32> to vector<1x128xf32>
    %add3A_118 = vector.broadcast %reshape3A : vector<256x1xf32> to vector<256x128xf32>
    %add3A_119 = vector.broadcast %slice3A_117 : vector<1x128xf32> to vector<256x128xf32>
    %add3A_120 = arith.addf %add3A_118, %add3A_119 : vector<256x128xf32>
    %slice3A_121 = vector.extract_strided_slice %dot_general3A_15 {offsets = [0, 1280], sizes = [256, 128], strides = [1, 1]} : vector<256x8192xf32> to vector<256x128xf32>
    %add3A_122 = arith.addf %add3A_120, %slice3A_121 : vector<256x128xf32>
    %lt3A_123 = arith.cmpf olt, %add3A_122, %select_n3A_113 : vector<256x128xf32>
    %select_n3A_124 = arith.select %lt3A_123, %add3A_122, %select_n3A_113 : vector<256x128xi1>, vector<256x128xf32>
    %jit3A_125 = arith.constant 10 : i32
    %broadcast_in_dim3A_126 = vector.broadcast %jit3A_125 : i32 to vector<256x128xi32>
    %select_n3A_127 = arith.select %lt3A_123, %broadcast_in_dim3A_126, %select_n3A_116 : vector<256x128xi1>, vector<256x128xi32>
    %slice3A_128 = vector.extract_strided_slice %get3A_12 {offsets = [0, 1408], sizes = [1, 128], strides = [1, 1]} : vector<1x8192xf32> to vector<1x128xf32>
    %add3A_129 = vector.broadcast %reshape3A : vector<256x1xf32> to vector<256x128xf32>
    %add3A_130 = vector.broadcast %slice3A_128 : vector<1x128xf32> to vector<256x128xf32>
    %add3A_131 = arith.addf %add3A_129, %add3A_130 : vector<256x128xf32>
    %slice3A_132 = vector.extract_strided_slice %dot_general3A_15 {offsets = [0, 1408], sizes = [256, 128], strides = [1, 1]} : vector<256x8192xf32> to vector<256x128xf32>
    %add3A_133 = arith.addf %add3A_131, %slice3A_132 : vector<256x128xf32>
    %lt3A_134 = arith.cmpf olt, %add3A_133, %select_n3A_124 : vector<256x128xf32>
    %select_n3A_135 = arith.select %lt3A_134, %add3A_133, %select_n3A_124 : vector<256x128xi1>, vector<256x128xf32>
    %jit3A_136 = arith.constant 11 : i32
    %broadcast_in_dim3A_137 = vector.broadcast %jit3A_136 : i32 to vector<256x128xi32>
    %select_n3A_138 = arith.select %lt3A_134, %broadcast_in_dim3A_137, %select_n3A_127 : vector<256x128xi1>, vector<256x128xi32>
    %slice3A_139 = vector.extract_strided_slice %get3A_12 {offsets = [0, 1536], sizes = [1, 128], strides = [1, 1]} : vector<1x8192xf32> to vector<1x128xf32>
    %add3A_140 = vector.broadcast %reshape3A : vector<256x1xf32> to vector<256x128xf32>
    %add3A_141 = vector.broadcast %slice3A_139 : vector<1x128xf32> to vector<256x128xf32>
    %add3A_142 = arith.addf %add3A_140, %add3A_141 : vector<256x128xf32>
    %slice3A_143 = vector.extract_strided_slice %dot_general3A_15 {offsets = [0, 1536], sizes = [256, 128], strides = [1, 1]} : vector<256x8192xf32> to vector<256x128xf32>
    %add3A_144 = arith.addf %add3A_142, %slice3A_143 : vector<256x128xf32>
    %lt3A_145 = arith.cmpf olt, %add3A_144, %select_n3A_135 : vector<256x128xf32>
    %select_n3A_146 = arith.select %lt3A_145, %add3A_144, %select_n3A_135 : vector<256x128xi1>, vector<256x128xf32>
    %jit3A_147 = arith.constant 12 : i32
    %broadcast_in_dim3A_148 = vector.broadcast %jit3A_147 : i32 to vector<256x128xi32>
    %select_n3A_149 = arith.select %lt3A_145, %broadcast_in_dim3A_148, %select_n3A_138 : vector<256x128xi1>, vector<256x128xi32>
    %slice3A_150 = vector.extract_strided_slice %get3A_12 {offsets = [0, 1664], sizes = [1, 128], strides = [1, 1]} : vector<1x8192xf32> to vector<1x128xf32>
    %add3A_151 = vector.broadcast %reshape3A : vector<256x1xf32> to vector<256x128xf32>
    %add3A_152 = vector.broadcast %slice3A_150 : vector<1x128xf32> to vector<256x128xf32>
    %add3A_153 = arith.addf %add3A_151, %add3A_152 : vector<256x128xf32>
    %slice3A_154 = vector.extract_strided_slice %dot_general3A_15 {offsets = [0, 1664], sizes = [256, 128], strides = [1, 1]} : vector<256x8192xf32> to vector<256x128xf32>
    %add3A_155 = arith.addf %add3A_153, %slice3A_154 : vector<256x128xf32>
    %lt3A_156 = arith.cmpf olt, %add3A_155, %select_n3A_146 : vector<256x128xf32>
    %select_n3A_157 = arith.select %lt3A_156, %add3A_155, %select_n3A_146 : vector<256x128xi1>, vector<256x128xf32>
    %jit3A_158 = arith.constant 13 : i32
    %broadcast_in_dim3A_159 = vector.broadcast %jit3A_158 : i32 to vector<256x128xi32>
    %select_n3A_160 = arith.select %lt3A_156, %broadcast_in_dim3A_159, %select_n3A_149 : vector<256x128xi1>, vector<256x128xi32>
    %slice3A_161 = vector.extract_strided_slice %get3A_12 {offsets = [0, 1792], sizes = [1, 128], strides = [1, 1]} : vector<1x8192xf32> to vector<1x128xf32>
    %add3A_162 = vector.broadcast %reshape3A : vector<256x1xf32> to vector<256x128xf32>
    %add3A_163 = vector.broadcast %slice3A_161 : vector<1x128xf32> to vector<256x128xf32>
    %add3A_164 = arith.addf %add3A_162, %add3A_163 : vector<256x128xf32>
    %slice3A_165 = vector.extract_strided_slice %dot_general3A_15 {offsets = [0, 1792], sizes = [256, 128], strides = [1, 1]} : vector<256x8192xf32> to vector<256x128xf32>
    %add3A_166 = arith.addf %add3A_164, %slice3A_165 : vector<256x128xf32>
    %lt3A_167 = arith.cmpf olt, %add3A_166, %select_n3A_157 : vector<256x128xf32>
    %select_n3A_168 = arith.select %lt3A_167, %add3A_166, %select_n3A_157 : vector<256x128xi1>, vector<256x128xf32>
    %jit3A_169 = arith.constant 14 : i32
    %broadcast_in_dim3A_170 = vector.broadcast %jit3A_169 : i32 to vector<256x128xi32>
    %select_n3A_171 = arith.select %lt3A_167, %broadcast_in_dim3A_170, %select_n3A_160 : vector<256x128xi1>, vector<256x128xi32>
    %slice3A_172 = vector.extract_strided_slice %get3A_12 {offsets = [0, 1920], sizes = [1, 128], strides = [1, 1]} : vector<1x8192xf32> to vector<1x128xf32>
    %add3A_173 = vector.broadcast %reshape3A : vector<256x1xf32> to vector<256x128xf32>
    %add3A_174 = vector.broadcast %slice3A_172 : vector<1x128xf32> to vector<256x128xf32>
    %add3A_175 = arith.addf %add3A_173, %add3A_174 : vector<256x128xf32>
    %slice3A_176 = vector.extract_strided_slice %dot_general3A_15 {offsets = [0, 1920], sizes = [256, 128], strides = [1, 1]} : vector<256x8192xf32> to vector<256x128xf32>
    %add3A_177 = arith.addf %add3A_175, %slice3A_176 : vector<256x128xf32>
    %lt3A_178 = arith.cmpf olt, %add3A_177, %select_n3A_168 : vector<256x128xf32>
    %select_n3A_179 = arith.select %lt3A_178, %add3A_177, %select_n3A_168 : vector<256x128xi1>, vector<256x128xf32>
    %jit3A_180 = arith.constant 15 : i32
    %broadcast_in_dim3A_181 = vector.broadcast %jit3A_180 : i32 to vector<256x128xi32>
    %select_n3A_182 = arith.select %lt3A_178, %broadcast_in_dim3A_181, %select_n3A_171 : vector<256x128xi1>, vector<256x128xi32>
    %slice3A_183 = vector.extract_strided_slice %get3A_12 {offsets = [0, 2048], sizes = [1, 128], strides = [1, 1]} : vector<1x8192xf32> to vector<1x128xf32>
    %add3A_184 = vector.broadcast %reshape3A : vector<256x1xf32> to vector<256x128xf32>
    %add3A_185 = vector.broadcast %slice3A_183 : vector<1x128xf32> to vector<256x128xf32>
    %add3A_186 = arith.addf %add3A_184, %add3A_185 : vector<256x128xf32>
    %slice3A_187 = vector.extract_strided_slice %dot_general3A_15 {offsets = [0, 2048], sizes = [256, 128], strides = [1, 1]} : vector<256x8192xf32> to vector<256x128xf32>
    %add3A_188 = arith.addf %add3A_186, %slice3A_187 : vector<256x128xf32>
    %lt3A_189 = arith.cmpf olt, %add3A_188, %select_n3A_179 : vector<256x128xf32>
    %select_n3A_190 = arith.select %lt3A_189, %add3A_188, %select_n3A_179 : vector<256x128xi1>, vector<256x128xf32>
    %jit3A_191 = arith.constant 16 : i32
    %broadcast_in_dim3A_192 = vector.broadcast %jit3A_191 : i32 to vector<256x128xi32>
    %select_n3A_193 = arith.select %lt3A_189, %broadcast_in_dim3A_192, %select_n3A_182 : vector<256x128xi1>, vector<256x128xi32>
    %slice3A_194 = vector.extract_strided_slice %get3A_12 {offsets = [0, 2176], sizes = [1, 128], strides = [1, 1]} : vector<1x8192xf32> to vector<1x128xf32>
    %add3A_195 = vector.broadcast %reshape3A : vector<256x1xf32> to vector<256x128xf32>
    %add3A_196 = vector.broadcast %slice3A_194 : vector<1x128xf32> to vector<256x128xf32>
    %add3A_197 = arith.addf %add3A_195, %add3A_196 : vector<256x128xf32>
    %slice3A_198 = vector.extract_strided_slice %dot_general3A_15 {offsets = [0, 2176], sizes = [256, 128], strides = [1, 1]} : vector<256x8192xf32> to vector<256x128xf32>
    %add3A_199 = arith.addf %add3A_197, %slice3A_198 : vector<256x128xf32>
    %lt3A_200 = arith.cmpf olt, %add3A_199, %select_n3A_190 : vector<256x128xf32>
    %select_n3A_201 = arith.select %lt3A_200, %add3A_199, %select_n3A_190 : vector<256x128xi1>, vector<256x128xf32>
    %jit3A_202 = arith.constant 17 : i32
    %broadcast_in_dim3A_203 = vector.broadcast %jit3A_202 : i32 to vector<256x128xi32>
    %select_n3A_204 = arith.select %lt3A_200, %broadcast_in_dim3A_203, %select_n3A_193 : vector<256x128xi1>, vector<256x128xi32>
    %slice3A_205 = vector.extract_strided_slice %get3A_12 {offsets = [0, 2304], sizes = [1, 128], strides = [1, 1]} : vector<1x8192xf32> to vector<1x128xf32>
    %add3A_206 = vector.broadcast %reshape3A : vector<256x1xf32> to vector<256x128xf32>
    %add3A_207 = vector.broadcast %slice3A_205 : vector<1x128xf32> to vector<256x128xf32>
    %add3A_208 = arith.addf %add3A_206, %add3A_207 : vector<256x128xf32>
    %slice3A_209 = vector.extract_strided_slice %dot_general3A_15 {offsets = [0, 2304], sizes = [256, 128], strides = [1, 1]} : vector<256x8192xf32> to vector<256x128xf32>
    %add3A_210 = arith.addf %add3A_208, %slice3A_209 : vector<256x128xf32>
    %lt3A_211 = arith.cmpf olt, %add3A_210, %select_n3A_201 : vector<256x128xf32>
    %select_n3A_212 = arith.select %lt3A_211, %add3A_210, %select_n3A_201 : vector<256x128xi1>, vector<256x128xf32>
    %jit3A_213 = arith.constant 18 : i32
    %broadcast_in_dim3A_214 = vector.broadcast %jit3A_213 : i32 to vector<256x128xi32>
    %select_n3A_215 = arith.select %lt3A_211, %broadcast_in_dim3A_214, %select_n3A_204 : vector<256x128xi1>, vector<256x128xi32>
    %slice3A_216 = vector.extract_strided_slice %get3A_12 {offsets = [0, 2432], sizes = [1, 128], strides = [1, 1]} : vector<1x8192xf32> to vector<1x128xf32>
    %add3A_217 = vector.broadcast %reshape3A : vector<256x1xf32> to vector<256x128xf32>
    %add3A_218 = vector.broadcast %slice3A_216 : vector<1x128xf32> to vector<256x128xf32>
    %add3A_219 = arith.addf %add3A_217, %add3A_218 : vector<256x128xf32>
    %slice3A_220 = vector.extract_strided_slice %dot_general3A_15 {offsets = [0, 2432], sizes = [256, 128], strides = [1, 1]} : vector<256x8192xf32> to vector<256x128xf32>
    %add3A_221 = arith.addf %add3A_219, %slice3A_220 : vector<256x128xf32>
    %lt3A_222 = arith.cmpf olt, %add3A_221, %select_n3A_212 : vector<256x128xf32>
    %select_n3A_223 = arith.select %lt3A_222, %add3A_221, %select_n3A_212 : vector<256x128xi1>, vector<256x128xf32>
    %jit3A_224 = arith.constant 19 : i32
    %broadcast_in_dim3A_225 = vector.broadcast %jit3A_224 : i32 to vector<256x128xi32>
    %select_n3A_226 = arith.select %lt3A_222, %broadcast_in_dim3A_225, %select_n3A_215 : vector<256x128xi1>, vector<256x128xi32>
    %slice3A_227 = vector.extract_strided_slice %get3A_12 {offsets = [0, 2560], sizes = [1, 128], strides = [1, 1]} : vector<1x8192xf32> to vector<1x128xf32>
    %add3A_228 = vector.broadcast %reshape3A : vector<256x1xf32> to vector<256x128xf32>
    %add3A_229 = vector.broadcast %slice3A_227 : vector<1x128xf32> to vector<256x128xf32>
    %add3A_230 = arith.addf %add3A_228, %add3A_229 : vector<256x128xf32>
    %slice3A_231 = vector.extract_strided_slice %dot_general3A_15 {offsets = [0, 2560], sizes = [256, 128], strides = [1, 1]} : vector<256x8192xf32> to vector<256x128xf32>
    %add3A_232 = arith.addf %add3A_230, %slice3A_231 : vector<256x128xf32>
    %lt3A_233 = arith.cmpf olt, %add3A_232, %select_n3A_223 : vector<256x128xf32>
    %select_n3A_234 = arith.select %lt3A_233, %add3A_232, %select_n3A_223 : vector<256x128xi1>, vector<256x128xf32>
    %jit3A_235 = arith.constant 20 : i32
    %broadcast_in_dim3A_236 = vector.broadcast %jit3A_235 : i32 to vector<256x128xi32>
    %select_n3A_237 = arith.select %lt3A_233, %broadcast_in_dim3A_236, %select_n3A_226 : vector<256x128xi1>, vector<256x128xi32>
    %slice3A_238 = vector.extract_strided_slice %get3A_12 {offsets = [0, 2688], sizes = [1, 128], strides = [1, 1]} : vector<1x8192xf32> to vector<1x128xf32>
    %add3A_239 = vector.broadcast %reshape3A : vector<256x1xf32> to vector<256x128xf32>
    %add3A_240 = vector.broadcast %slice3A_238 : vector<1x128xf32> to vector<256x128xf32>
    %add3A_241 = arith.addf %add3A_239, %add3A_240 : vector<256x128xf32>
    %slice3A_242 = vector.extract_strided_slice %dot_general3A_15 {offsets = [0, 2688], sizes = [256, 128], strides = [1, 1]} : vector<256x8192xf32> to vector<256x128xf32>
    %add3A_243 = arith.addf %add3A_241, %slice3A_242 : vector<256x128xf32>
    %lt3A_244 = arith.cmpf olt, %add3A_243, %select_n3A_234 : vector<256x128xf32>
    %select_n3A_245 = arith.select %lt3A_244, %add3A_243, %select_n3A_234 : vector<256x128xi1>, vector<256x128xf32>
    %jit3A_246 = arith.constant 21 : i32
    %broadcast_in_dim3A_247 = vector.broadcast %jit3A_246 : i32 to vector<256x128xi32>
    %select_n3A_248 = arith.select %lt3A_244, %broadcast_in_dim3A_247, %select_n3A_237 : vector<256x128xi1>, vector<256x128xi32>
    %slice3A_249 = vector.extract_strided_slice %get3A_12 {offsets = [0, 2816], sizes = [1, 128], strides = [1, 1]} : vector<1x8192xf32> to vector<1x128xf32>
    %add3A_250 = vector.broadcast %reshape3A : vector<256x1xf32> to vector<256x128xf32>
    %add3A_251 = vector.broadcast %slice3A_249 : vector<1x128xf32> to vector<256x128xf32>
    %add3A_252 = arith.addf %add3A_250, %add3A_251 : vector<256x128xf32>
    %slice3A_253 = vector.extract_strided_slice %dot_general3A_15 {offsets = [0, 2816], sizes = [256, 128], strides = [1, 1]} : vector<256x8192xf32> to vector<256x128xf32>
    %add3A_254 = arith.addf %add3A_252, %slice3A_253 : vector<256x128xf32>
    %lt3A_255 = arith.cmpf olt, %add3A_254, %select_n3A_245 : vector<256x128xf32>
    %select_n3A_256 = arith.select %lt3A_255, %add3A_254, %select_n3A_245 : vector<256x128xi1>, vector<256x128xf32>
    %jit3A_257 = arith.constant 22 : i32
    %broadcast_in_dim3A_258 = vector.broadcast %jit3A_257 : i32 to vector<256x128xi32>
    %select_n3A_259 = arith.select %lt3A_255, %broadcast_in_dim3A_258, %select_n3A_248 : vector<256x128xi1>, vector<256x128xi32>
    %slice3A_260 = vector.extract_strided_slice %get3A_12 {offsets = [0, 2944], sizes = [1, 128], strides = [1, 1]} : vector<1x8192xf32> to vector<1x128xf32>
    %add3A_261 = vector.broadcast %reshape3A : vector<256x1xf32> to vector<256x128xf32>
    %add3A_262 = vector.broadcast %slice3A_260 : vector<1x128xf32> to vector<256x128xf32>
    %add3A_263 = arith.addf %add3A_261, %add3A_262 : vector<256x128xf32>
    %slice3A_264 = vector.extract_strided_slice %dot_general3A_15 {offsets = [0, 2944], sizes = [256, 128], strides = [1, 1]} : vector<256x8192xf32> to vector<256x128xf32>
    %add3A_265 = arith.addf %add3A_263, %slice3A_264 : vector<256x128xf32>
    %lt3A_266 = arith.cmpf olt, %add3A_265, %select_n3A_256 : vector<256x128xf32>
    %select_n3A_267 = arith.select %lt3A_266, %add3A_265, %select_n3A_256 : vector<256x128xi1>, vector<256x128xf32>
    %jit3A_268 = arith.constant 23 : i32
    %broadcast_in_dim3A_269 = vector.broadcast %jit3A_268 : i32 to vector<256x128xi32>
    %select_n3A_270 = arith.select %lt3A_266, %broadcast_in_dim3A_269, %select_n3A_259 : vector<256x128xi1>, vector<256x128xi32>
    %slice3A_271 = vector.extract_strided_slice %get3A_12 {offsets = [0, 3072], sizes = [1, 128], strides = [1, 1]} : vector<1x8192xf32> to vector<1x128xf32>
    %add3A_272 = vector.broadcast %reshape3A : vector<256x1xf32> to vector<256x128xf32>
    %add3A_273 = vector.broadcast %slice3A_271 : vector<1x128xf32> to vector<256x128xf32>
    %add3A_274 = arith.addf %add3A_272, %add3A_273 : vector<256x128xf32>
    %slice3A_275 = vector.extract_strided_slice %dot_general3A_15 {offsets = [0, 3072], sizes = [256, 128], strides = [1, 1]} : vector<256x8192xf32> to vector<256x128xf32>
    %add3A_276 = arith.addf %add3A_274, %slice3A_275 : vector<256x128xf32>
    %lt3A_277 = arith.cmpf olt, %add3A_276, %select_n3A_267 : vector<256x128xf32>
    %select_n3A_278 = arith.select %lt3A_277, %add3A_276, %select_n3A_267 : vector<256x128xi1>, vector<256x128xf32>
    %jit3A_279 = arith.constant 24 : i32
    %broadcast_in_dim3A_280 = vector.broadcast %jit3A_279 : i32 to vector<256x128xi32>
    %select_n3A_281 = arith.select %lt3A_277, %broadcast_in_dim3A_280, %select_n3A_270 : vector<256x128xi1>, vector<256x128xi32>
    %slice3A_282 = vector.extract_strided_slice %get3A_12 {offsets = [0, 3200], sizes = [1, 128], strides = [1, 1]} : vector<1x8192xf32> to vector<1x128xf32>
    %add3A_283 = vector.broadcast %reshape3A : vector<256x1xf32> to vector<256x128xf32>
    %add3A_284 = vector.broadcast %slice3A_282 : vector<1x128xf32> to vector<256x128xf32>
    %add3A_285 = arith.addf %add3A_283, %add3A_284 : vector<256x128xf32>
    %slice3A_286 = vector.extract_strided_slice %dot_general3A_15 {offsets = [0, 3200], sizes = [256, 128], strides = [1, 1]} : vector<256x8192xf32> to vector<256x128xf32>
    %add3A_287 = arith.addf %add3A_285, %slice3A_286 : vector<256x128xf32>
    %lt3A_288 = arith.cmpf olt, %add3A_287, %select_n3A_278 : vector<256x128xf32>
    %select_n3A_289 = arith.select %lt3A_288, %add3A_287, %select_n3A_278 : vector<256x128xi1>, vector<256x128xf32>
    %jit3A_290 = arith.constant 25 : i32
    %broadcast_in_dim3A_291 = vector.broadcast %jit3A_290 : i32 to vector<256x128xi32>
    %select_n3A_292 = arith.select %lt3A_288, %broadcast_in_dim3A_291, %select_n3A_281 : vector<256x128xi1>, vector<256x128xi32>
    %slice3A_293 = vector.extract_strided_slice %get3A_12 {offsets = [0, 3328], sizes = [1, 128], strides = [1, 1]} : vector<1x8192xf32> to vector<1x128xf32>
    %add3A_294 = vector.broadcast %reshape3A : vector<256x1xf32> to vector<256x128xf32>
    %add3A_295 = vector.broadcast %slice3A_293 : vector<1x128xf32> to vector<256x128xf32>
    %add3A_296 = arith.addf %add3A_294, %add3A_295 : vector<256x128xf32>
    %slice3A_297 = vector.extract_strided_slice %dot_general3A_15 {offsets = [0, 3328], sizes = [256, 128], strides = [1, 1]} : vector<256x8192xf32> to vector<256x128xf32>
    %add3A_298 = arith.addf %add3A_296, %slice3A_297 : vector<256x128xf32>
    %lt3A_299 = arith.cmpf olt, %add3A_298, %select_n3A_289 : vector<256x128xf32>
    %select_n3A_300 = arith.select %lt3A_299, %add3A_298, %select_n3A_289 : vector<256x128xi1>, vector<256x128xf32>
    %jit3A_301 = arith.constant 26 : i32
    %broadcast_in_dim3A_302 = vector.broadcast %jit3A_301 : i32 to vector<256x128xi32>
    %select_n3A_303 = arith.select %lt3A_299, %broadcast_in_dim3A_302, %select_n3A_292 : vector<256x128xi1>, vector<256x128xi32>
    %slice3A_304 = vector.extract_strided_slice %get3A_12 {offsets = [0, 3456], sizes = [1, 128], strides = [1, 1]} : vector<1x8192xf32> to vector<1x128xf32>
    %add3A_305 = vector.broadcast %reshape3A : vector<256x1xf32> to vector<256x128xf32>
    %add3A_306 = vector.broadcast %slice3A_304 : vector<1x128xf32> to vector<256x128xf32>
    %add3A_307 = arith.addf %add3A_305, %add3A_306 : vector<256x128xf32>
    %slice3A_308 = vector.extract_strided_slice %dot_general3A_15 {offsets = [0, 3456], sizes = [256, 128], strides = [1, 1]} : vector<256x8192xf32> to vector<256x128xf32>
    %add3A_309 = arith.addf %add3A_307, %slice3A_308 : vector<256x128xf32>
    %lt3A_310 = arith.cmpf olt, %add3A_309, %select_n3A_300 : vector<256x128xf32>
    %select_n3A_311 = arith.select %lt3A_310, %add3A_309, %select_n3A_300 : vector<256x128xi1>, vector<256x128xf32>
    %jit3A_312 = arith.constant 27 : i32
    %broadcast_in_dim3A_313 = vector.broadcast %jit3A_312 : i32 to vector<256x128xi32>
    %select_n3A_314 = arith.select %lt3A_310, %broadcast_in_dim3A_313, %select_n3A_303 : vector<256x128xi1>, vector<256x128xi32>
    %slice3A_315 = vector.extract_strided_slice %get3A_12 {offsets = [0, 3584], sizes = [1, 128], strides = [1, 1]} : vector<1x8192xf32> to vector<1x128xf32>
    %add3A_316 = vector.broadcast %reshape3A : vector<256x1xf32> to vector<256x128xf32>
    %add3A_317 = vector.broadcast %slice3A_315 : vector<1x128xf32> to vector<256x128xf32>
    %add3A_318 = arith.addf %add3A_316, %add3A_317 : vector<256x128xf32>
    %slice3A_319 = vector.extract_strided_slice %dot_general3A_15 {offsets = [0, 3584], sizes = [256, 128], strides = [1, 1]} : vector<256x8192xf32> to vector<256x128xf32>
    %add3A_320 = arith.addf %add3A_318, %slice3A_319 : vector<256x128xf32>
    %lt3A_321 = arith.cmpf olt, %add3A_320, %select_n3A_311 : vector<256x128xf32>
    %select_n3A_322 = arith.select %lt3A_321, %add3A_320, %select_n3A_311 : vector<256x128xi1>, vector<256x128xf32>
    %jit3A_323 = arith.constant 28 : i32
    %broadcast_in_dim3A_324 = vector.broadcast %jit3A_323 : i32 to vector<256x128xi32>
    %select_n3A_325 = arith.select %lt3A_321, %broadcast_in_dim3A_324, %select_n3A_314 : vector<256x128xi1>, vector<256x128xi32>
    %slice3A_326 = vector.extract_strided_slice %get3A_12 {offsets = [0, 3712], sizes = [1, 128], strides = [1, 1]} : vector<1x8192xf32> to vector<1x128xf32>
    %add3A_327 = vector.broadcast %reshape3A : vector<256x1xf32> to vector<256x128xf32>
    %add3A_328 = vector.broadcast %slice3A_326 : vector<1x128xf32> to vector<256x128xf32>
    %add3A_329 = arith.addf %add3A_327, %add3A_328 : vector<256x128xf32>
    %slice3A_330 = vector.extract_strided_slice %dot_general3A_15 {offsets = [0, 3712], sizes = [256, 128], strides = [1, 1]} : vector<256x8192xf32> to vector<256x128xf32>
    %add3A_331 = arith.addf %add3A_329, %slice3A_330 : vector<256x128xf32>
    %lt3A_332 = arith.cmpf olt, %add3A_331, %select_n3A_322 : vector<256x128xf32>
    %select_n3A_333 = arith.select %lt3A_332, %add3A_331, %select_n3A_322 : vector<256x128xi1>, vector<256x128xf32>
    %jit3A_334 = arith.constant 29 : i32
    %broadcast_in_dim3A_335 = vector.broadcast %jit3A_334 : i32 to vector<256x128xi32>
    %select_n3A_336 = arith.select %lt3A_332, %broadcast_in_dim3A_335, %select_n3A_325 : vector<256x128xi1>, vector<256x128xi32>
    %slice3A_337 = vector.extract_strided_slice %get3A_12 {offsets = [0, 3840], sizes = [1, 128], strides = [1, 1]} : vector<1x8192xf32> to vector<1x128xf32>
    %add3A_338 = vector.broadcast %reshape3A : vector<256x1xf32> to vector<256x128xf32>
    %add3A_339 = vector.broadcast %slice3A_337 : vector<1x128xf32> to vector<256x128xf32>
    %add3A_340 = arith.addf %add3A_338, %add3A_339 : vector<256x128xf32>
    %slice3A_341 = vector.extract_strided_slice %dot_general3A_15 {offsets = [0, 3840], sizes = [256, 128], strides = [1, 1]} : vector<256x8192xf32> to vector<256x128xf32>
    %add3A_342 = arith.addf %add3A_340, %slice3A_341 : vector<256x128xf32>
    %lt3A_343 = arith.cmpf olt, %add3A_342, %select_n3A_333 : vector<256x128xf32>
    %select_n3A_344 = arith.select %lt3A_343, %add3A_342, %select_n3A_333 : vector<256x128xi1>, vector<256x128xf32>
    %jit3A_345 = arith.constant 30 : i32
    %broadcast_in_dim3A_346 = vector.broadcast %jit3A_345 : i32 to vector<256x128xi32>
    %select_n3A_347 = arith.select %lt3A_343, %broadcast_in_dim3A_346, %select_n3A_336 : vector<256x128xi1>, vector<256x128xi32>
    %slice3A_348 = vector.extract_strided_slice %get3A_12 {offsets = [0, 3968], sizes = [1, 128], strides = [1, 1]} : vector<1x8192xf32> to vector<1x128xf32>
    %add3A_349 = vector.broadcast %reshape3A : vector<256x1xf32> to vector<256x128xf32>
    %add3A_350 = vector.broadcast %slice3A_348 : vector<1x128xf32> to vector<256x128xf32>
    %add3A_351 = arith.addf %add3A_349, %add3A_350 : vector<256x128xf32>
    %slice3A_352 = vector.extract_strided_slice %dot_general3A_15 {offsets = [0, 3968], sizes = [256, 128], strides = [1, 1]} : vector<256x8192xf32> to vector<256x128xf32>
    %add3A_353 = arith.addf %add3A_351, %slice3A_352 : vector<256x128xf32>
    %lt3A_354 = arith.cmpf olt, %add3A_353, %select_n3A_344 : vector<256x128xf32>
    %select_n3A_355 = arith.select %lt3A_354, %add3A_353, %select_n3A_344 : vector<256x128xi1>, vector<256x128xf32>
    %jit3A_356 = arith.constant 31 : i32
    %broadcast_in_dim3A_357 = vector.broadcast %jit3A_356 : i32 to vector<256x128xi32>
    %select_n3A_358 = arith.select %lt3A_354, %broadcast_in_dim3A_357, %select_n3A_347 : vector<256x128xi1>, vector<256x128xi32>
    %slice3A_359 = vector.extract_strided_slice %get3A_12 {offsets = [0, 4096], sizes = [1, 128], strides = [1, 1]} : vector<1x8192xf32> to vector<1x128xf32>
    %add3A_360 = vector.broadcast %reshape3A : vector<256x1xf32> to vector<256x128xf32>
    %add3A_361 = vector.broadcast %slice3A_359 : vector<1x128xf32> to vector<256x128xf32>
    %add3A_362 = arith.addf %add3A_360, %add3A_361 : vector<256x128xf32>
    %slice3A_363 = vector.extract_strided_slice %dot_general3A_15 {offsets = [0, 4096], sizes = [256, 128], strides = [1, 1]} : vector<256x8192xf32> to vector<256x128xf32>
    %add3A_364 = arith.addf %add3A_362, %slice3A_363 : vector<256x128xf32>
    %lt3A_365 = arith.cmpf olt, %add3A_364, %select_n3A_355 : vector<256x128xf32>
    %select_n3A_366 = arith.select %lt3A_365, %add3A_364, %select_n3A_355 : vector<256x128xi1>, vector<256x128xf32>
    %jit3A_367 = arith.constant 32 : i32
    %broadcast_in_dim3A_368 = vector.broadcast %jit3A_367 : i32 to vector<256x128xi32>
    %select_n3A_369 = arith.select %lt3A_365, %broadcast_in_dim3A_368, %select_n3A_358 : vector<256x128xi1>, vector<256x128xi32>
    %slice3A_370 = vector.extract_strided_slice %get3A_12 {offsets = [0, 4224], sizes = [1, 128], strides = [1, 1]} : vector<1x8192xf32> to vector<1x128xf32>
    %add3A_371 = vector.broadcast %reshape3A : vector<256x1xf32> to vector<256x128xf32>
    %add3A_372 = vector.broadcast %slice3A_370 : vector<1x128xf32> to vector<256x128xf32>
    %add3A_373 = arith.addf %add3A_371, %add3A_372 : vector<256x128xf32>
    %slice3A_374 = vector.extract_strided_slice %dot_general3A_15 {offsets = [0, 4224], sizes = [256, 128], strides = [1, 1]} : vector<256x8192xf32> to vector<256x128xf32>
    %add3A_375 = arith.addf %add3A_373, %slice3A_374 : vector<256x128xf32>
    %lt3A_376 = arith.cmpf olt, %add3A_375, %select_n3A_366 : vector<256x128xf32>
    %select_n3A_377 = arith.select %lt3A_376, %add3A_375, %select_n3A_366 : vector<256x128xi1>, vector<256x128xf32>
    %jit3A_378 = arith.constant 33 : i32
    %broadcast_in_dim3A_379 = vector.broadcast %jit3A_378 : i32 to vector<256x128xi32>
    %select_n3A_380 = arith.select %lt3A_376, %broadcast_in_dim3A_379, %select_n3A_369 : vector<256x128xi1>, vector<256x128xi32>
    %slice3A_381 = vector.extract_strided_slice %get3A_12 {offsets = [0, 4352], sizes = [1, 128], strides = [1, 1]} : vector<1x8192xf32> to vector<1x128xf32>
    %add3A_382 = vector.broadcast %reshape3A : vector<256x1xf32> to vector<256x128xf32>
    %add3A_383 = vector.broadcast %slice3A_381 : vector<1x128xf32> to vector<256x128xf32>
    %add3A_384 = arith.addf %add3A_382, %add3A_383 : vector<256x128xf32>
    %slice3A_385 = vector.extract_strided_slice %dot_general3A_15 {offsets = [0, 4352], sizes = [256, 128], strides = [1, 1]} : vector<256x8192xf32> to vector<256x128xf32>
    %add3A_386 = arith.addf %add3A_384, %slice3A_385 : vector<256x128xf32>
    %lt3A_387 = arith.cmpf olt, %add3A_386, %select_n3A_377 : vector<256x128xf32>
    %select_n3A_388 = arith.select %lt3A_387, %add3A_386, %select_n3A_377 : vector<256x128xi1>, vector<256x128xf32>
    %jit3A_389 = arith.constant 34 : i32
    %broadcast_in_dim3A_390 = vector.broadcast %jit3A_389 : i32 to vector<256x128xi32>
    %select_n3A_391 = arith.select %lt3A_387, %broadcast_in_dim3A_390, %select_n3A_380 : vector<256x128xi1>, vector<256x128xi32>
    %slice3A_392 = vector.extract_strided_slice %get3A_12 {offsets = [0, 4480], sizes = [1, 128], strides = [1, 1]} : vector<1x8192xf32> to vector<1x128xf32>
    %add3A_393 = vector.broadcast %reshape3A : vector<256x1xf32> to vector<256x128xf32>
    %add3A_394 = vector.broadcast %slice3A_392 : vector<1x128xf32> to vector<256x128xf32>
    %add3A_395 = arith.addf %add3A_393, %add3A_394 : vector<256x128xf32>
    %slice3A_396 = vector.extract_strided_slice %dot_general3A_15 {offsets = [0, 4480], sizes = [256, 128], strides = [1, 1]} : vector<256x8192xf32> to vector<256x128xf32>
    %add3A_397 = arith.addf %add3A_395, %slice3A_396 : vector<256x128xf32>
    %lt3A_398 = arith.cmpf olt, %add3A_397, %select_n3A_388 : vector<256x128xf32>
    %select_n3A_399 = arith.select %lt3A_398, %add3A_397, %select_n3A_388 : vector<256x128xi1>, vector<256x128xf32>
    %jit3A_400 = arith.constant 35 : i32
    %broadcast_in_dim3A_401 = vector.broadcast %jit3A_400 : i32 to vector<256x128xi32>
    %select_n3A_402 = arith.select %lt3A_398, %broadcast_in_dim3A_401, %select_n3A_391 : vector<256x128xi1>, vector<256x128xi32>
    %slice3A_403 = vector.extract_strided_slice %get3A_12 {offsets = [0, 4608], sizes = [1, 128], strides = [1, 1]} : vector<1x8192xf32> to vector<1x128xf32>
    %add3A_404 = vector.broadcast %reshape3A : vector<256x1xf32> to vector<256x128xf32>
    %add3A_405 = vector.broadcast %slice3A_403 : vector<1x128xf32> to vector<256x128xf32>
    %add3A_406 = arith.addf %add3A_404, %add3A_405 : vector<256x128xf32>
    %slice3A_407 = vector.extract_strided_slice %dot_general3A_15 {offsets = [0, 4608], sizes = [256, 128], strides = [1, 1]} : vector<256x8192xf32> to vector<256x128xf32>
    %add3A_408 = arith.addf %add3A_406, %slice3A_407 : vector<256x128xf32>
    %lt3A_409 = arith.cmpf olt, %add3A_408, %select_n3A_399 : vector<256x128xf32>
    %select_n3A_410 = arith.select %lt3A_409, %add3A_408, %select_n3A_399 : vector<256x128xi1>, vector<256x128xf32>
    %jit3A_411 = arith.constant 36 : i32
    %broadcast_in_dim3A_412 = vector.broadcast %jit3A_411 : i32 to vector<256x128xi32>
    %select_n3A_413 = arith.select %lt3A_409, %broadcast_in_dim3A_412, %select_n3A_402 : vector<256x128xi1>, vector<256x128xi32>
    %slice3A_414 = vector.extract_strided_slice %get3A_12 {offsets = [0, 4736], sizes = [1, 128], strides = [1, 1]} : vector<1x8192xf32> to vector<1x128xf32>
    %add3A_415 = vector.broadcast %reshape3A : vector<256x1xf32> to vector<256x128xf32>
    %add3A_416 = vector.broadcast %slice3A_414 : vector<1x128xf32> to vector<256x128xf32>
    %add3A_417 = arith.addf %add3A_415, %add3A_416 : vector<256x128xf32>
    %slice3A_418 = vector.extract_strided_slice %dot_general3A_15 {offsets = [0, 4736], sizes = [256, 128], strides = [1, 1]} : vector<256x8192xf32> to vector<256x128xf32>
    %add3A_419 = arith.addf %add3A_417, %slice3A_418 : vector<256x128xf32>
    %lt3A_420 = arith.cmpf olt, %add3A_419, %select_n3A_410 : vector<256x128xf32>
    %select_n3A_421 = arith.select %lt3A_420, %add3A_419, %select_n3A_410 : vector<256x128xi1>, vector<256x128xf32>
    %jit3A_422 = arith.constant 37 : i32
    %broadcast_in_dim3A_423 = vector.broadcast %jit3A_422 : i32 to vector<256x128xi32>
    %select_n3A_424 = arith.select %lt3A_420, %broadcast_in_dim3A_423, %select_n3A_413 : vector<256x128xi1>, vector<256x128xi32>
    %slice3A_425 = vector.extract_strided_slice %get3A_12 {offsets = [0, 4864], sizes = [1, 128], strides = [1, 1]} : vector<1x8192xf32> to vector<1x128xf32>
    %add3A_426 = vector.broadcast %reshape3A : vector<256x1xf32> to vector<256x128xf32>
    %add3A_427 = vector.broadcast %slice3A_425 : vector<1x128xf32> to vector<256x128xf32>
    %add3A_428 = arith.addf %add3A_426, %add3A_427 : vector<256x128xf32>
    %slice3A_429 = vector.extract_strided_slice %dot_general3A_15 {offsets = [0, 4864], sizes = [256, 128], strides = [1, 1]} : vector<256x8192xf32> to vector<256x128xf32>
    %add3A_430 = arith.addf %add3A_428, %slice3A_429 : vector<256x128xf32>
    %lt3A_431 = arith.cmpf olt, %add3A_430, %select_n3A_421 : vector<256x128xf32>
    %select_n3A_432 = arith.select %lt3A_431, %add3A_430, %select_n3A_421 : vector<256x128xi1>, vector<256x128xf32>
    %jit3A_433 = arith.constant 38 : i32
    %broadcast_in_dim3A_434 = vector.broadcast %jit3A_433 : i32 to vector<256x128xi32>
    %select_n3A_435 = arith.select %lt3A_431, %broadcast_in_dim3A_434, %select_n3A_424 : vector<256x128xi1>, vector<256x128xi32>
    %slice3A_436 = vector.extract_strided_slice %get3A_12 {offsets = [0, 4992], sizes = [1, 128], strides = [1, 1]} : vector<1x8192xf32> to vector<1x128xf32>
    %add3A_437 = vector.broadcast %reshape3A : vector<256x1xf32> to vector<256x128xf32>
    %add3A_438 = vector.broadcast %slice3A_436 : vector<1x128xf32> to vector<256x128xf32>
    %add3A_439 = arith.addf %add3A_437, %add3A_438 : vector<256x128xf32>
    %slice3A_440 = vector.extract_strided_slice %dot_general3A_15 {offsets = [0, 4992], sizes = [256, 128], strides = [1, 1]} : vector<256x8192xf32> to vector<256x128xf32>
    %add3A_441 = arith.addf %add3A_439, %slice3A_440 : vector<256x128xf32>
    %lt3A_442 = arith.cmpf olt, %add3A_441, %select_n3A_432 : vector<256x128xf32>
    %select_n3A_443 = arith.select %lt3A_442, %add3A_441, %select_n3A_432 : vector<256x128xi1>, vector<256x128xf32>
    %jit3A_444 = arith.constant 39 : i32
    %broadcast_in_dim3A_445 = vector.broadcast %jit3A_444 : i32 to vector<256x128xi32>
    %select_n3A_446 = arith.select %lt3A_442, %broadcast_in_dim3A_445, %select_n3A_435 : vector<256x128xi1>, vector<256x128xi32>
    %slice3A_447 = vector.extract_strided_slice %get3A_12 {offsets = [0, 5120], sizes = [1, 128], strides = [1, 1]} : vector<1x8192xf32> to vector<1x128xf32>
    %add3A_448 = vector.broadcast %reshape3A : vector<256x1xf32> to vector<256x128xf32>
    %add3A_449 = vector.broadcast %slice3A_447 : vector<1x128xf32> to vector<256x128xf32>
    %add3A_450 = arith.addf %add3A_448, %add3A_449 : vector<256x128xf32>
    %slice3A_451 = vector.extract_strided_slice %dot_general3A_15 {offsets = [0, 5120], sizes = [256, 128], strides = [1, 1]} : vector<256x8192xf32> to vector<256x128xf32>
    %add3A_452 = arith.addf %add3A_450, %slice3A_451 : vector<256x128xf32>
    %lt3A_453 = arith.cmpf olt, %add3A_452, %select_n3A_443 : vector<256x128xf32>
    %select_n3A_454 = arith.select %lt3A_453, %add3A_452, %select_n3A_443 : vector<256x128xi1>, vector<256x128xf32>
    %jit3A_455 = arith.constant 40 : i32
    %broadcast_in_dim3A_456 = vector.broadcast %jit3A_455 : i32 to vector<256x128xi32>
    %select_n3A_457 = arith.select %lt3A_453, %broadcast_in_dim3A_456, %select_n3A_446 : vector<256x128xi1>, vector<256x128xi32>
    %slice3A_458 = vector.extract_strided_slice %get3A_12 {offsets = [0, 5248], sizes = [1, 128], strides = [1, 1]} : vector<1x8192xf32> to vector<1x128xf32>
    %add3A_459 = vector.broadcast %reshape3A : vector<256x1xf32> to vector<256x128xf32>
    %add3A_460 = vector.broadcast %slice3A_458 : vector<1x128xf32> to vector<256x128xf32>
    %add3A_461 = arith.addf %add3A_459, %add3A_460 : vector<256x128xf32>
    %slice3A_462 = vector.extract_strided_slice %dot_general3A_15 {offsets = [0, 5248], sizes = [256, 128], strides = [1, 1]} : vector<256x8192xf32> to vector<256x128xf32>
    %add3A_463 = arith.addf %add3A_461, %slice3A_462 : vector<256x128xf32>
    %lt3A_464 = arith.cmpf olt, %add3A_463, %select_n3A_454 : vector<256x128xf32>
    %select_n3A_465 = arith.select %lt3A_464, %add3A_463, %select_n3A_454 : vector<256x128xi1>, vector<256x128xf32>
    %jit3A_466 = arith.constant 41 : i32
    %broadcast_in_dim3A_467 = vector.broadcast %jit3A_466 : i32 to vector<256x128xi32>
    %select_n3A_468 = arith.select %lt3A_464, %broadcast_in_dim3A_467, %select_n3A_457 : vector<256x128xi1>, vector<256x128xi32>
    %slice3A_469 = vector.extract_strided_slice %get3A_12 {offsets = [0, 5376], sizes = [1, 128], strides = [1, 1]} : vector<1x8192xf32> to vector<1x128xf32>
    %add3A_470 = vector.broadcast %reshape3A : vector<256x1xf32> to vector<256x128xf32>
    %add3A_471 = vector.broadcast %slice3A_469 : vector<1x128xf32> to vector<256x128xf32>
    %add3A_472 = arith.addf %add3A_470, %add3A_471 : vector<256x128xf32>
    %slice3A_473 = vector.extract_strided_slice %dot_general3A_15 {offsets = [0, 5376], sizes = [256, 128], strides = [1, 1]} : vector<256x8192xf32> to vector<256x128xf32>
    %add3A_474 = arith.addf %add3A_472, %slice3A_473 : vector<256x128xf32>
    %lt3A_475 = arith.cmpf olt, %add3A_474, %select_n3A_465 : vector<256x128xf32>
    %select_n3A_476 = arith.select %lt3A_475, %add3A_474, %select_n3A_465 : vector<256x128xi1>, vector<256x128xf32>
    %jit3A_477 = arith.constant 42 : i32
    %broadcast_in_dim3A_478 = vector.broadcast %jit3A_477 : i32 to vector<256x128xi32>
    %select_n3A_479 = arith.select %lt3A_475, %broadcast_in_dim3A_478, %select_n3A_468 : vector<256x128xi1>, vector<256x128xi32>
    %slice3A_480 = vector.extract_strided_slice %get3A_12 {offsets = [0, 5504], sizes = [1, 128], strides = [1, 1]} : vector<1x8192xf32> to vector<1x128xf32>
    %add3A_481 = vector.broadcast %reshape3A : vector<256x1xf32> to vector<256x128xf32>
    %add3A_482 = vector.broadcast %slice3A_480 : vector<1x128xf32> to vector<256x128xf32>
    %add3A_483 = arith.addf %add3A_481, %add3A_482 : vector<256x128xf32>
    %slice3A_484 = vector.extract_strided_slice %dot_general3A_15 {offsets = [0, 5504], sizes = [256, 128], strides = [1, 1]} : vector<256x8192xf32> to vector<256x128xf32>
    %add3A_485 = arith.addf %add3A_483, %slice3A_484 : vector<256x128xf32>
    %lt3A_486 = arith.cmpf olt, %add3A_485, %select_n3A_476 : vector<256x128xf32>
    %select_n3A_487 = arith.select %lt3A_486, %add3A_485, %select_n3A_476 : vector<256x128xi1>, vector<256x128xf32>
    %jit3A_488 = arith.constant 43 : i32
    %broadcast_in_dim3A_489 = vector.broadcast %jit3A_488 : i32 to vector<256x128xi32>
    %select_n3A_490 = arith.select %lt3A_486, %broadcast_in_dim3A_489, %select_n3A_479 : vector<256x128xi1>, vector<256x128xi32>
    %slice3A_491 = vector.extract_strided_slice %get3A_12 {offsets = [0, 5632], sizes = [1, 128], strides = [1, 1]} : vector<1x8192xf32> to vector<1x128xf32>
    %add3A_492 = vector.broadcast %reshape3A : vector<256x1xf32> to vector<256x128xf32>
    %add3A_493 = vector.broadcast %slice3A_491 : vector<1x128xf32> to vector<256x128xf32>
    %add3A_494 = arith.addf %add3A_492, %add3A_493 : vector<256x128xf32>
    %slice3A_495 = vector.extract_strided_slice %dot_general3A_15 {offsets = [0, 5632], sizes = [256, 128], strides = [1, 1]} : vector<256x8192xf32> to vector<256x128xf32>
    %add3A_496 = arith.addf %add3A_494, %slice3A_495 : vector<256x128xf32>
    %lt3A_497 = arith.cmpf olt, %add3A_496, %select_n3A_487 : vector<256x128xf32>
    %select_n3A_498 = arith.select %lt3A_497, %add3A_496, %select_n3A_487 : vector<256x128xi1>, vector<256x128xf32>
    %jit3A_499 = arith.constant 44 : i32
    %broadcast_in_dim3A_500 = vector.broadcast %jit3A_499 : i32 to vector<256x128xi32>
    %select_n3A_501 = arith.select %lt3A_497, %broadcast_in_dim3A_500, %select_n3A_490 : vector<256x128xi1>, vector<256x128xi32>
    %slice3A_502 = vector.extract_strided_slice %get3A_12 {offsets = [0, 5760], sizes = [1, 128], strides = [1, 1]} : vector<1x8192xf32> to vector<1x128xf32>
    %add3A_503 = vector.broadcast %reshape3A : vector<256x1xf32> to vector<256x128xf32>
    %add3A_504 = vector.broadcast %slice3A_502 : vector<1x128xf32> to vector<256x128xf32>
    %add3A_505 = arith.addf %add3A_503, %add3A_504 : vector<256x128xf32>
    %slice3A_506 = vector.extract_strided_slice %dot_general3A_15 {offsets = [0, 5760], sizes = [256, 128], strides = [1, 1]} : vector<256x8192xf32> to vector<256x128xf32>
    %add3A_507 = arith.addf %add3A_505, %slice3A_506 : vector<256x128xf32>
    %lt3A_508 = arith.cmpf olt, %add3A_507, %select_n3A_498 : vector<256x128xf32>
    %select_n3A_509 = arith.select %lt3A_508, %add3A_507, %select_n3A_498 : vector<256x128xi1>, vector<256x128xf32>
    %jit3A_510 = arith.constant 45 : i32
    %broadcast_in_dim3A_511 = vector.broadcast %jit3A_510 : i32 to vector<256x128xi32>
    %select_n3A_512 = arith.select %lt3A_508, %broadcast_in_dim3A_511, %select_n3A_501 : vector<256x128xi1>, vector<256x128xi32>
    %slice3A_513 = vector.extract_strided_slice %get3A_12 {offsets = [0, 5888], sizes = [1, 128], strides = [1, 1]} : vector<1x8192xf32> to vector<1x128xf32>
    %add3A_514 = vector.broadcast %reshape3A : vector<256x1xf32> to vector<256x128xf32>
    %add3A_515 = vector.broadcast %slice3A_513 : vector<1x128xf32> to vector<256x128xf32>
    %add3A_516 = arith.addf %add3A_514, %add3A_515 : vector<256x128xf32>
    %slice3A_517 = vector.extract_strided_slice %dot_general3A_15 {offsets = [0, 5888], sizes = [256, 128], strides = [1, 1]} : vector<256x8192xf32> to vector<256x128xf32>
    %add3A_518 = arith.addf %add3A_516, %slice3A_517 : vector<256x128xf32>
    %lt3A_519 = arith.cmpf olt, %add3A_518, %select_n3A_509 : vector<256x128xf32>
    %select_n3A_520 = arith.select %lt3A_519, %add3A_518, %select_n3A_509 : vector<256x128xi1>, vector<256x128xf32>
    %jit3A_521 = arith.constant 46 : i32
    %broadcast_in_dim3A_522 = vector.broadcast %jit3A_521 : i32 to vector<256x128xi32>
    %select_n3A_523 = arith.select %lt3A_519, %broadcast_in_dim3A_522, %select_n3A_512 : vector<256x128xi1>, vector<256x128xi32>
    %slice3A_524 = vector.extract_strided_slice %get3A_12 {offsets = [0, 6016], sizes = [1, 128], strides = [1, 1]} : vector<1x8192xf32> to vector<1x128xf32>
    %add3A_525 = vector.broadcast %reshape3A : vector<256x1xf32> to vector<256x128xf32>
    %add3A_526 = vector.broadcast %slice3A_524 : vector<1x128xf32> to vector<256x128xf32>
    %add3A_527 = arith.addf %add3A_525, %add3A_526 : vector<256x128xf32>
    %slice3A_528 = vector.extract_strided_slice %dot_general3A_15 {offsets = [0, 6016], sizes = [256, 128], strides = [1, 1]} : vector<256x8192xf32> to vector<256x128xf32>
    %add3A_529 = arith.addf %add3A_527, %slice3A_528 : vector<256x128xf32>
    %lt3A_530 = arith.cmpf olt, %add3A_529, %select_n3A_520 : vector<256x128xf32>
    %select_n3A_531 = arith.select %lt3A_530, %add3A_529, %select_n3A_520 : vector<256x128xi1>, vector<256x128xf32>
    %jit3A_532 = arith.constant 47 : i32
    %broadcast_in_dim3A_533 = vector.broadcast %jit3A_532 : i32 to vector<256x128xi32>
    %select_n3A_534 = arith.select %lt3A_530, %broadcast_in_dim3A_533, %select_n3A_523 : vector<256x128xi1>, vector<256x128xi32>
    %slice3A_535 = vector.extract_strided_slice %get3A_12 {offsets = [0, 6144], sizes = [1, 128], strides = [1, 1]} : vector<1x8192xf32> to vector<1x128xf32>
    %add3A_536 = vector.broadcast %reshape3A : vector<256x1xf32> to vector<256x128xf32>
    %add3A_537 = vector.broadcast %slice3A_535 : vector<1x128xf32> to vector<256x128xf32>
    %add3A_538 = arith.addf %add3A_536, %add3A_537 : vector<256x128xf32>
    %slice3A_539 = vector.extract_strided_slice %dot_general3A_15 {offsets = [0, 6144], sizes = [256, 128], strides = [1, 1]} : vector<256x8192xf32> to vector<256x128xf32>
    %add3A_540 = arith.addf %add3A_538, %slice3A_539 : vector<256x128xf32>
    %lt3A_541 = arith.cmpf olt, %add3A_540, %select_n3A_531 : vector<256x128xf32>
    %select_n3A_542 = arith.select %lt3A_541, %add3A_540, %select_n3A_531 : vector<256x128xi1>, vector<256x128xf32>
    %jit3A_543 = arith.constant 48 : i32
    %broadcast_in_dim3A_544 = vector.broadcast %jit3A_543 : i32 to vector<256x128xi32>
    %select_n3A_545 = arith.select %lt3A_541, %broadcast_in_dim3A_544, %select_n3A_534 : vector<256x128xi1>, vector<256x128xi32>
    %slice3A_546 = vector.extract_strided_slice %get3A_12 {offsets = [0, 6272], sizes = [1, 128], strides = [1, 1]} : vector<1x8192xf32> to vector<1x128xf32>
    %add3A_547 = vector.broadcast %reshape3A : vector<256x1xf32> to vector<256x128xf32>
    %add3A_548 = vector.broadcast %slice3A_546 : vector<1x128xf32> to vector<256x128xf32>
    %add3A_549 = arith.addf %add3A_547, %add3A_548 : vector<256x128xf32>
    %slice3A_550 = vector.extract_strided_slice %dot_general3A_15 {offsets = [0, 6272], sizes = [256, 128], strides = [1, 1]} : vector<256x8192xf32> to vector<256x128xf32>
    %add3A_551 = arith.addf %add3A_549, %slice3A_550 : vector<256x128xf32>
    %lt3A_552 = arith.cmpf olt, %add3A_551, %select_n3A_542 : vector<256x128xf32>
    %select_n3A_553 = arith.select %lt3A_552, %add3A_551, %select_n3A_542 : vector<256x128xi1>, vector<256x128xf32>
    %jit3A_554 = arith.constant 49 : i32
    %broadcast_in_dim3A_555 = vector.broadcast %jit3A_554 : i32 to vector<256x128xi32>
    %select_n3A_556 = arith.select %lt3A_552, %broadcast_in_dim3A_555, %select_n3A_545 : vector<256x128xi1>, vector<256x128xi32>
    %slice3A_557 = vector.extract_strided_slice %get3A_12 {offsets = [0, 6400], sizes = [1, 128], strides = [1, 1]} : vector<1x8192xf32> to vector<1x128xf32>
    %add3A_558 = vector.broadcast %reshape3A : vector<256x1xf32> to vector<256x128xf32>
    %add3A_559 = vector.broadcast %slice3A_557 : vector<1x128xf32> to vector<256x128xf32>
    %add3A_560 = arith.addf %add3A_558, %add3A_559 : vector<256x128xf32>
    %slice3A_561 = vector.extract_strided_slice %dot_general3A_15 {offsets = [0, 6400], sizes = [256, 128], strides = [1, 1]} : vector<256x8192xf32> to vector<256x128xf32>
    %add3A_562 = arith.addf %add3A_560, %slice3A_561 : vector<256x128xf32>
    %lt3A_563 = arith.cmpf olt, %add3A_562, %select_n3A_553 : vector<256x128xf32>
    %select_n3A_564 = arith.select %lt3A_563, %add3A_562, %select_n3A_553 : vector<256x128xi1>, vector<256x128xf32>
    %jit3A_565 = arith.constant 50 : i32
    %broadcast_in_dim3A_566 = vector.broadcast %jit3A_565 : i32 to vector<256x128xi32>
    %select_n3A_567 = arith.select %lt3A_563, %broadcast_in_dim3A_566, %select_n3A_556 : vector<256x128xi1>, vector<256x128xi32>
    %slice3A_568 = vector.extract_strided_slice %get3A_12 {offsets = [0, 6528], sizes = [1, 128], strides = [1, 1]} : vector<1x8192xf32> to vector<1x128xf32>
    %add3A_569 = vector.broadcast %reshape3A : vector<256x1xf32> to vector<256x128xf32>
    %add3A_570 = vector.broadcast %slice3A_568 : vector<1x128xf32> to vector<256x128xf32>
    %add3A_571 = arith.addf %add3A_569, %add3A_570 : vector<256x128xf32>
    %slice3A_572 = vector.extract_strided_slice %dot_general3A_15 {offsets = [0, 6528], sizes = [256, 128], strides = [1, 1]} : vector<256x8192xf32> to vector<256x128xf32>
    %add3A_573 = arith.addf %add3A_571, %slice3A_572 : vector<256x128xf32>
    %lt3A_574 = arith.cmpf olt, %add3A_573, %select_n3A_564 : vector<256x128xf32>
    %select_n3A_575 = arith.select %lt3A_574, %add3A_573, %select_n3A_564 : vector<256x128xi1>, vector<256x128xf32>
    %jit3A_576 = arith.constant 51 : i32
    %broadcast_in_dim3A_577 = vector.broadcast %jit3A_576 : i32 to vector<256x128xi32>
    %select_n3A_578 = arith.select %lt3A_574, %broadcast_in_dim3A_577, %select_n3A_567 : vector<256x128xi1>, vector<256x128xi32>
    %slice3A_579 = vector.extract_strided_slice %get3A_12 {offsets = [0, 6656], sizes = [1, 128], strides = [1, 1]} : vector<1x8192xf32> to vector<1x128xf32>
    %add3A_580 = vector.broadcast %reshape3A : vector<256x1xf32> to vector<256x128xf32>
    %add3A_581 = vector.broadcast %slice3A_579 : vector<1x128xf32> to vector<256x128xf32>
    %add3A_582 = arith.addf %add3A_580, %add3A_581 : vector<256x128xf32>
    %slice3A_583 = vector.extract_strided_slice %dot_general3A_15 {offsets = [0, 6656], sizes = [256, 128], strides = [1, 1]} : vector<256x8192xf32> to vector<256x128xf32>
    %add3A_584 = arith.addf %add3A_582, %slice3A_583 : vector<256x128xf32>
    %lt3A_585 = arith.cmpf olt, %add3A_584, %select_n3A_575 : vector<256x128xf32>
    %select_n3A_586 = arith.select %lt3A_585, %add3A_584, %select_n3A_575 : vector<256x128xi1>, vector<256x128xf32>
    %jit3A_587 = arith.constant 52 : i32
    %broadcast_in_dim3A_588 = vector.broadcast %jit3A_587 : i32 to vector<256x128xi32>
    %select_n3A_589 = arith.select %lt3A_585, %broadcast_in_dim3A_588, %select_n3A_578 : vector<256x128xi1>, vector<256x128xi32>
    %slice3A_590 = vector.extract_strided_slice %get3A_12 {offsets = [0, 6784], sizes = [1, 128], strides = [1, 1]} : vector<1x8192xf32> to vector<1x128xf32>
    %add3A_591 = vector.broadcast %reshape3A : vector<256x1xf32> to vector<256x128xf32>
    %add3A_592 = vector.broadcast %slice3A_590 : vector<1x128xf32> to vector<256x128xf32>
    %add3A_593 = arith.addf %add3A_591, %add3A_592 : vector<256x128xf32>
    %slice3A_594 = vector.extract_strided_slice %dot_general3A_15 {offsets = [0, 6784], sizes = [256, 128], strides = [1, 1]} : vector<256x8192xf32> to vector<256x128xf32>
    %add3A_595 = arith.addf %add3A_593, %slice3A_594 : vector<256x128xf32>
    %lt3A_596 = arith.cmpf olt, %add3A_595, %select_n3A_586 : vector<256x128xf32>
    %select_n3A_597 = arith.select %lt3A_596, %add3A_595, %select_n3A_586 : vector<256x128xi1>, vector<256x128xf32>
    %jit3A_598 = arith.constant 53 : i32
    %broadcast_in_dim3A_599 = vector.broadcast %jit3A_598 : i32 to vector<256x128xi32>
    %select_n3A_600 = arith.select %lt3A_596, %broadcast_in_dim3A_599, %select_n3A_589 : vector<256x128xi1>, vector<256x128xi32>
    %slice3A_601 = vector.extract_strided_slice %get3A_12 {offsets = [0, 6912], sizes = [1, 128], strides = [1, 1]} : vector<1x8192xf32> to vector<1x128xf32>
    %add3A_602 = vector.broadcast %reshape3A : vector<256x1xf32> to vector<256x128xf32>
    %add3A_603 = vector.broadcast %slice3A_601 : vector<1x128xf32> to vector<256x128xf32>
    %add3A_604 = arith.addf %add3A_602, %add3A_603 : vector<256x128xf32>
    %slice3A_605 = vector.extract_strided_slice %dot_general3A_15 {offsets = [0, 6912], sizes = [256, 128], strides = [1, 1]} : vector<256x8192xf32> to vector<256x128xf32>
    %add3A_606 = arith.addf %add3A_604, %slice3A_605 : vector<256x128xf32>
    %lt3A_607 = arith.cmpf olt, %add3A_606, %select_n3A_597 : vector<256x128xf32>
    %select_n3A_608 = arith.select %lt3A_607, %add3A_606, %select_n3A_597 : vector<256x128xi1>, vector<256x128xf32>
    %jit3A_609 = arith.constant 54 : i32
    %broadcast_in_dim3A_610 = vector.broadcast %jit3A_609 : i32 to vector<256x128xi32>
    %select_n3A_611 = arith.select %lt3A_607, %broadcast_in_dim3A_610, %select_n3A_600 : vector<256x128xi1>, vector<256x128xi32>
    %slice3A_612 = vector.extract_strided_slice %get3A_12 {offsets = [0, 7040], sizes = [1, 128], strides = [1, 1]} : vector<1x8192xf32> to vector<1x128xf32>
    %add3A_613 = vector.broadcast %reshape3A : vector<256x1xf32> to vector<256x128xf32>
    %add3A_614 = vector.broadcast %slice3A_612 : vector<1x128xf32> to vector<256x128xf32>
    %add3A_615 = arith.addf %add3A_613, %add3A_614 : vector<256x128xf32>
    %slice3A_616 = vector.extract_strided_slice %dot_general3A_15 {offsets = [0, 7040], sizes = [256, 128], strides = [1, 1]} : vector<256x8192xf32> to vector<256x128xf32>
    %add3A_617 = arith.addf %add3A_615, %slice3A_616 : vector<256x128xf32>
    %lt3A_618 = arith.cmpf olt, %add3A_617, %select_n3A_608 : vector<256x128xf32>
    %select_n3A_619 = arith.select %lt3A_618, %add3A_617, %select_n3A_608 : vector<256x128xi1>, vector<256x128xf32>
    %jit3A_620 = arith.constant 55 : i32
    %broadcast_in_dim3A_621 = vector.broadcast %jit3A_620 : i32 to vector<256x128xi32>
    %select_n3A_622 = arith.select %lt3A_618, %broadcast_in_dim3A_621, %select_n3A_611 : vector<256x128xi1>, vector<256x128xi32>
    %slice3A_623 = vector.extract_strided_slice %get3A_12 {offsets = [0, 7168], sizes = [1, 128], strides = [1, 1]} : vector<1x8192xf32> to vector<1x128xf32>
    %add3A_624 = vector.broadcast %reshape3A : vector<256x1xf32> to vector<256x128xf32>
    %add3A_625 = vector.broadcast %slice3A_623 : vector<1x128xf32> to vector<256x128xf32>
    %add3A_626 = arith.addf %add3A_624, %add3A_625 : vector<256x128xf32>
    %slice3A_627 = vector.extract_strided_slice %dot_general3A_15 {offsets = [0, 7168], sizes = [256, 128], strides = [1, 1]} : vector<256x8192xf32> to vector<256x128xf32>
    %add3A_628 = arith.addf %add3A_626, %slice3A_627 : vector<256x128xf32>
    %lt3A_629 = arith.cmpf olt, %add3A_628, %select_n3A_619 : vector<256x128xf32>
    %select_n3A_630 = arith.select %lt3A_629, %add3A_628, %select_n3A_619 : vector<256x128xi1>, vector<256x128xf32>
    %jit3A_631 = arith.constant 56 : i32
    %broadcast_in_dim3A_632 = vector.broadcast %jit3A_631 : i32 to vector<256x128xi32>
    %select_n3A_633 = arith.select %lt3A_629, %broadcast_in_dim3A_632, %select_n3A_622 : vector<256x128xi1>, vector<256x128xi32>
    %slice3A_634 = vector.extract_strided_slice %get3A_12 {offsets = [0, 7296], sizes = [1, 128], strides = [1, 1]} : vector<1x8192xf32> to vector<1x128xf32>
    %add3A_635 = vector.broadcast %reshape3A : vector<256x1xf32> to vector<256x128xf32>
    %add3A_636 = vector.broadcast %slice3A_634 : vector<1x128xf32> to vector<256x128xf32>
    %add3A_637 = arith.addf %add3A_635, %add3A_636 : vector<256x128xf32>
    %slice3A_638 = vector.extract_strided_slice %dot_general3A_15 {offsets = [0, 7296], sizes = [256, 128], strides = [1, 1]} : vector<256x8192xf32> to vector<256x128xf32>
    %add3A_639 = arith.addf %add3A_637, %slice3A_638 : vector<256x128xf32>
    %lt3A_640 = arith.cmpf olt, %add3A_639, %select_n3A_630 : vector<256x128xf32>
    %select_n3A_641 = arith.select %lt3A_640, %add3A_639, %select_n3A_630 : vector<256x128xi1>, vector<256x128xf32>
    %jit3A_642 = arith.constant 57 : i32
    %broadcast_in_dim3A_643 = vector.broadcast %jit3A_642 : i32 to vector<256x128xi32>
    %select_n3A_644 = arith.select %lt3A_640, %broadcast_in_dim3A_643, %select_n3A_633 : vector<256x128xi1>, vector<256x128xi32>
    %slice3A_645 = vector.extract_strided_slice %get3A_12 {offsets = [0, 7424], sizes = [1, 128], strides = [1, 1]} : vector<1x8192xf32> to vector<1x128xf32>
    %add3A_646 = vector.broadcast %reshape3A : vector<256x1xf32> to vector<256x128xf32>
    %add3A_647 = vector.broadcast %slice3A_645 : vector<1x128xf32> to vector<256x128xf32>
    %add3A_648 = arith.addf %add3A_646, %add3A_647 : vector<256x128xf32>
    %slice3A_649 = vector.extract_strided_slice %dot_general3A_15 {offsets = [0, 7424], sizes = [256, 128], strides = [1, 1]} : vector<256x8192xf32> to vector<256x128xf32>
    %add3A_650 = arith.addf %add3A_648, %slice3A_649 : vector<256x128xf32>
    %lt3A_651 = arith.cmpf olt, %add3A_650, %select_n3A_641 : vector<256x128xf32>
    %select_n3A_652 = arith.select %lt3A_651, %add3A_650, %select_n3A_641 : vector<256x128xi1>, vector<256x128xf32>
    %jit3A_653 = arith.constant 58 : i32
    %broadcast_in_dim3A_654 = vector.broadcast %jit3A_653 : i32 to vector<256x128xi32>
    %select_n3A_655 = arith.select %lt3A_651, %broadcast_in_dim3A_654, %select_n3A_644 : vector<256x128xi1>, vector<256x128xi32>
    %slice3A_656 = vector.extract_strided_slice %get3A_12 {offsets = [0, 7552], sizes = [1, 128], strides = [1, 1]} : vector<1x8192xf32> to vector<1x128xf32>
    %add3A_657 = vector.broadcast %reshape3A : vector<256x1xf32> to vector<256x128xf32>
    %add3A_658 = vector.broadcast %slice3A_656 : vector<1x128xf32> to vector<256x128xf32>
    %add3A_659 = arith.addf %add3A_657, %add3A_658 : vector<256x128xf32>
    %slice3A_660 = vector.extract_strided_slice %dot_general3A_15 {offsets = [0, 7552], sizes = [256, 128], strides = [1, 1]} : vector<256x8192xf32> to vector<256x128xf32>
    %add3A_661 = arith.addf %add3A_659, %slice3A_660 : vector<256x128xf32>
    %lt3A_662 = arith.cmpf olt, %add3A_661, %select_n3A_652 : vector<256x128xf32>
    %select_n3A_663 = arith.select %lt3A_662, %add3A_661, %select_n3A_652 : vector<256x128xi1>, vector<256x128xf32>
    %jit3A_664 = arith.constant 59 : i32
    %broadcast_in_dim3A_665 = vector.broadcast %jit3A_664 : i32 to vector<256x128xi32>
    %select_n3A_666 = arith.select %lt3A_662, %broadcast_in_dim3A_665, %select_n3A_655 : vector<256x128xi1>, vector<256x128xi32>
    %slice3A_667 = vector.extract_strided_slice %get3A_12 {offsets = [0, 7680], sizes = [1, 128], strides = [1, 1]} : vector<1x8192xf32> to vector<1x128xf32>
    %add3A_668 = vector.broadcast %reshape3A : vector<256x1xf32> to vector<256x128xf32>
    %add3A_669 = vector.broadcast %slice3A_667 : vector<1x128xf32> to vector<256x128xf32>
    %add3A_670 = arith.addf %add3A_668, %add3A_669 : vector<256x128xf32>
    %slice3A_671 = vector.extract_strided_slice %dot_general3A_15 {offsets = [0, 7680], sizes = [256, 128], strides = [1, 1]} : vector<256x8192xf32> to vector<256x128xf32>
    %add3A_672 = arith.addf %add3A_670, %slice3A_671 : vector<256x128xf32>
    %lt3A_673 = arith.cmpf olt, %add3A_672, %select_n3A_663 : vector<256x128xf32>
    %select_n3A_674 = arith.select %lt3A_673, %add3A_672, %select_n3A_663 : vector<256x128xi1>, vector<256x128xf32>
    %jit3A_675 = arith.constant 60 : i32
    %broadcast_in_dim3A_676 = vector.broadcast %jit3A_675 : i32 to vector<256x128xi32>
    %select_n3A_677 = arith.select %lt3A_673, %broadcast_in_dim3A_676, %select_n3A_666 : vector<256x128xi1>, vector<256x128xi32>
    %slice3A_678 = vector.extract_strided_slice %get3A_12 {offsets = [0, 7808], sizes = [1, 128], strides = [1, 1]} : vector<1x8192xf32> to vector<1x128xf32>
    %add3A_679 = vector.broadcast %reshape3A : vector<256x1xf32> to vector<256x128xf32>
    %add3A_680 = vector.broadcast %slice3A_678 : vector<1x128xf32> to vector<256x128xf32>
    %add3A_681 = arith.addf %add3A_679, %add3A_680 : vector<256x128xf32>
    %slice3A_682 = vector.extract_strided_slice %dot_general3A_15 {offsets = [0, 7808], sizes = [256, 128], strides = [1, 1]} : vector<256x8192xf32> to vector<256x128xf32>
    %add3A_683 = arith.addf %add3A_681, %slice3A_682 : vector<256x128xf32>
    %lt3A_684 = arith.cmpf olt, %add3A_683, %select_n3A_674 : vector<256x128xf32>
    %select_n3A_685 = arith.select %lt3A_684, %add3A_683, %select_n3A_674 : vector<256x128xi1>, vector<256x128xf32>
    %jit3A_686 = arith.constant 61 : i32
    %broadcast_in_dim3A_687 = vector.broadcast %jit3A_686 : i32 to vector<256x128xi32>
    %select_n3A_688 = arith.select %lt3A_684, %broadcast_in_dim3A_687, %select_n3A_677 : vector<256x128xi1>, vector<256x128xi32>
    %slice3A_689 = vector.extract_strided_slice %get3A_12 {offsets = [0, 7936], sizes = [1, 128], strides = [1, 1]} : vector<1x8192xf32> to vector<1x128xf32>
    %add3A_690 = vector.broadcast %reshape3A : vector<256x1xf32> to vector<256x128xf32>
    %add3A_691 = vector.broadcast %slice3A_689 : vector<1x128xf32> to vector<256x128xf32>
    %add3A_692 = arith.addf %add3A_690, %add3A_691 : vector<256x128xf32>
    %slice3A_693 = vector.extract_strided_slice %dot_general3A_15 {offsets = [0, 7936], sizes = [256, 128], strides = [1, 1]} : vector<256x8192xf32> to vector<256x128xf32>
    %add3A_694 = arith.addf %add3A_692, %slice3A_693 : vector<256x128xf32>
    %lt3A_695 = arith.cmpf olt, %add3A_694, %select_n3A_685 : vector<256x128xf32>
    %select_n3A_696 = arith.select %lt3A_695, %add3A_694, %select_n3A_685 : vector<256x128xi1>, vector<256x128xf32>
    %jit3A_697 = arith.constant 62 : i32
    %broadcast_in_dim3A_698 = vector.broadcast %jit3A_697 : i32 to vector<256x128xi32>
    %select_n3A_699 = arith.select %lt3A_695, %broadcast_in_dim3A_698, %select_n3A_688 : vector<256x128xi1>, vector<256x128xi32>
    %slice3A_700 = vector.extract_strided_slice %get3A_12 {offsets = [0, 8064], sizes = [1, 128], strides = [1, 1]} : vector<1x8192xf32> to vector<1x128xf32>
    %add3A_701 = vector.broadcast %reshape3A : vector<256x1xf32> to vector<256x128xf32>
    %add3A_702 = vector.broadcast %slice3A_700 : vector<1x128xf32> to vector<256x128xf32>
    %add3A_703 = arith.addf %add3A_701, %add3A_702 : vector<256x128xf32>
    %slice3A_704 = vector.extract_strided_slice %dot_general3A_15 {offsets = [0, 8064], sizes = [256, 128], strides = [1, 1]} : vector<256x8192xf32> to vector<256x128xf32>
    %add3A_705 = arith.addf %add3A_703, %slice3A_704 : vector<256x128xf32>
    %lt3A_706 = arith.cmpf olt, %add3A_705, %select_n3A_696 : vector<256x128xf32>
    %select_n3A_707 = arith.select %lt3A_706, %add3A_705, %select_n3A_696 : vector<256x128xi1>, vector<256x128xf32>
    %jit3A_708 = arith.constant 63 : i32
    %broadcast_in_dim3A_709 = vector.broadcast %jit3A_708 : i32 to vector<256x128xi32>
    %select_n3A_710 = arith.select %lt3A_706, %broadcast_in_dim3A_709, %select_n3A_699 : vector<256x128xi1>, vector<256x128xi32>
    %iota3A = tpu.iota {dimensions = array<i32: 1>} : vector<256x128xi32>
    %mul3A_711 = arith.constant 128 : i32
    %mul3A_712 = vector.broadcast %mul3A_711 : i32 to vector<256x128xi32>
    %mul3A_713 = arith.muli %select_n3A_710, %mul3A_712 : vector<256x128xi32>
    %add3A_714 = arith.addi %mul3A_713, %iota3A : vector<256x128xi32>
    %reduce_min3A = arith.constant dense<0x7F800000> : vector<256xf32>
    %reduce_min3A_715 = vector.multi_reduction <minimumf>, %select_n3A_707, %reduce_min3A [1] : vector<256x128xf32> to vector<256xf32>
    %broadcast_in_dim3A_716 = vector.shape_cast %reduce_min3A_715 : vector<256xf32> to vector<256x1xf32>
    %eq3A = vector.broadcast %broadcast_in_dim3A_716 : vector<256x1xf32> to vector<256x128xf32>
    %eq3A_717 = arith.cmpf oeq, %select_n3A_707, %eq3A : vector<256x128xf32>
    %jit3A_718 = arith.constant 8192 : i32
    %broadcast_in_dim3A_719 = vector.broadcast %jit3A_718 : i32 to vector<256x128xi32>
    %select_n3A_720 = arith.select %eq3A_717, %add3A_714, %broadcast_in_dim3A_719 : vector<256x128xi1>, vector<256x128xi32>
    %reduce_min3A_721 = arith.constant dense<2147483647> : vector<256xi32>
    %reduce_min3A_722 = vector.multi_reduction <minsi>, %select_n3A_720, %reduce_min3A_721 [1] : vector<256x128xi32> to vector<256xi32>
    %swap3A = arith.constant 0 : index
    %swap3A_723 = arith.constant 0 : index
    %swap3A_724 = arith.constant 0 : index
    %swap3A_725 = vector.load %arg5[%swap3A, %swap3A_723, %swap3A_724] : memref<1x1x256xi32, #tpu.memory_space<vmem>>, vector<1x1x256xi32>
    %swap3A_726 = vector.shape_cast %swap3A_725 : vector<1x1x256xi32> to vector<256xi32>
    %swap3A_727 = vector.shape_cast %reduce_min3A_722 : vector<256xi32> to vector<1x1x256xi32>
    tpu.vector_store %arg5[%swap3A, %swap3A_723, %swap3A_724], %swap3A_727 {strides = array<i32>} : memref<1x1x256xi32, #tpu.memory_space<vmem>>, vector<1x1x256xi32>,
    return
  }
  func.func @transform_0(%arg0: i32) -> (i32, i32) {
    %c0_i32 = arith.constant 0 : i32
    %c0_i32_0 = arith.constant 0 : i32
    return %arg0, %c0_i32 : i32, i32
  }
  func.func @transform_1(%arg0: i32) -> (i32, i32) {
    %c0_i32 = arith.constant 0 : i32
    %c0_i32_0 = arith.constant 0 : i32
    %c0_i32_1 = arith.constant 0 : i32
    return %c0_i32, %c0_i32_0 : i32, i32
  }
  func.func @transform_2(%arg0: i32) -> (i32, i32, i32) {
    %c0_i32 = arith.constant 0 : i32
    %c0_i32_0 = arith.constant 0 : i32
    %c0_i32_1 = arith.constant 0 : i32
    return %arg0, %c0_i32, %c0_i32_0 : i32, i32, i32
  }
  func.func @transform_3(%arg0: i32) -> (i32, i32) {
    %c0_i32 = arith.constant 0 : i32
    %c0_i32_0 = arith.constant 0 : i32
    %c0_i32_1 = arith.constant 0 : i32
    return %c0_i32, %c0_i32_0 : i32, i32
  }
  func.func @transform_4(%arg0: i32) -> (i32, i32, i32) {
    %c0_i32 = arith.constant 0 : i32
    %c0_i32_0 = arith.constant 0 : i32
    %c0_i32_1 = arith.constant 0 : i32
    return %arg0, %c0_i32, %c0_i32_0 : i32, i32, i32
  }
}

module attributes {stable_mosaic.version = 14 : i64} {
  func.func @_st_loss_body(%arg0: i32, %arg1: memref<1024x256xf32, #tpu.memory_space<vmem>>, %arg2: memref<1024x256xf32, #tpu.memory_space<vmem>>, %arg3: memref<1024x256xf32, #tpu.memory_space<vmem>>, %arg4: memref<1x1x256xf32, #tpu.memory_space<vmem>>) attributes {dimension_semantics = [#tpu.dimension_semantics<arbitrary>], iteration_bounds = array<i64: 16>, scalar_prefetch = 0 : i64, scratch_operands = 0 : i64, tpu.core_type = #tpu.core_type<tc>, window_params = [{transform_indices = @transform_0, window_bounds = array<i64: 1024, 256>}, {transform_indices = @transform_1, window_bounds = array<i64: 1024, 256>}, {transform_indices = @transform_2, window_bounds = array<i64: 1024, 256>}, {transform_indices = @transform_3, window_bounds = array<i64: 1, 1, 256>}]} {
    %get3A = arith.constant 0 : index
    %get3A_0 = arith.constant 0 : index
    %get3A_1 = vector.load %arg1[%get3A, %get3A_0] : memref<1024x256xf32, #tpu.memory_space<vmem>>, vector<1024x256xf32>
    %get3A_2 = arith.constant 0 : index
    %get3A_3 = arith.constant 0 : index
    %get3A_4 = vector.load %arg2[%get3A_2, %get3A_3] : memref<1024x256xf32, #tpu.memory_space<vmem>>, vector<1024x256xf32>
    %sub3A = arith.subf %get3A_4, %get3A_1 : vector<1024x256xf32>
    %add3A = arith.addf %get3A_1, %sub3A : vector<1024x256xf32>
    %swap3A = arith.constant 0 : index
    %swap3A_5 = arith.constant 0 : index
    %swap3A_6 = vector.load %arg3[%swap3A, %swap3A_5] : memref<1024x256xf32, #tpu.memory_space<vmem>>, vector<1024x256xf32>
    tpu.vector_store %arg3[%swap3A, %swap3A_5], %add3A {strides = array<i32>} : memref<1024x256xf32, #tpu.memory_space<vmem>>, vector<1024x256xf32>,
    %mul3A = arith.mulf %sub3A, %sub3A : vector<1024x256xf32>
    %reduce_sum3A = arith.constant dense<0.000000e+00> : vector<256xf32>
    %reduce_sum3A_7 = vector.multi_reduction <add>, %mul3A, %reduce_sum3A [0] : vector<1024x256xf32> to vector<256xf32>
    %swap3A_8 = arith.constant 0 : index
    %swap3A_9 = arith.constant 0 : index
    %swap3A_10 = arith.constant 0 : index
    %swap3A_11 = vector.load %arg4[%swap3A_8, %swap3A_9, %swap3A_10] : memref<1x1x256xf32, #tpu.memory_space<vmem>>, vector<1x1x256xf32>
    %swap3A_12 = vector.shape_cast %swap3A_11 : vector<1x1x256xf32> to vector<256xf32>
    %swap3A_13 = vector.shape_cast %reduce_sum3A_7 : vector<256xf32> to vector<1x1x256xf32>
    tpu.vector_store %arg4[%swap3A_8, %swap3A_9, %swap3A_10], %swap3A_13 {strides = array<i32>} : memref<1x1x256xf32, #tpu.memory_space<vmem>>, vector<1x1x256xf32>,
    return
  }
  func.func @transform_0(%arg0: i32) -> (i32, i32) {
    %c0_i32 = arith.constant 0 : i32
    %c0_i32_0 = arith.constant 0 : i32
    return %arg0, %c0_i32 : i32, i32
  }
  func.func @transform_1(%arg0: i32) -> (i32, i32) {
    %c0_i32 = arith.constant 0 : i32
    %c0_i32_0 = arith.constant 0 : i32
    return %arg0, %c0_i32 : i32, i32
  }
  func.func @transform_2(%arg0: i32) -> (i32, i32) {
    %c0_i32 = arith.constant 0 : i32
    %c0_i32_0 = arith.constant 0 : i32
    return %arg0, %c0_i32 : i32, i32
  }
  func.func @transform_3(%arg0: i32) -> (i32, i32, i32) {
    %c0_i32 = arith.constant 0 : i32
    %c0_i32_0 = arith.constant 0 : i32
    %c0_i32_1 = arith.constant 0 : i32
    return %arg0, %c0_i32, %c0_i32_0 : i32, i32, i32
  }
}

</mosaic_0001>

<sc_bundles>
// kernel: kernel.5.cloned.1.call-start
scs
__scs_entry_jumppad:
0x0: {  	(pc) =	sbr.rel $0x88, $3  }
0x1: {  	(tag) =	ssettag $0x0;
	lr =	simm.s32 $0x1  }
0x2: {  	[smem:$0x3F9F] =	sst lr;
	_ =	strace $0xD0000000  }
0x3: {  	_ = 	snop  }
0x4: {  	_ = 	snop  }
0x5: {  	_ = 	snop  }
0x6: {  	_ = 	snop  }
0x7: {  	_ = 	snop  }
__scs_overlays_trampoline_lowered:
0x8: {  	[smem:$0x3FAE] =	sst s0  }
0x9: {  	[smem:$0x3FAF] =	sst s1  }
0xa: {  	[smem:$0x3FB0] =	sst s2  }
0xb: {  	[smem:$0x3FB1] =	sst s3  }
0xc: {  	[smem:$0x3FB2] =	sst s4  }
0xd: {  	[smem:$0x3FB3] =	sst s5  }
0xe: {  	[smem:$0x3FB4] =	sst s6  }
0xf: {  	[smem:$0x3FB5] =	sst s7  }
0x10: {  	[smem:$0x3FB6] =	sst s8  }
0x11: {  	[smem:$0x3FB7] =	sst s9;
	s0 =	simm.s32 @!p0 $0x0  }
0x12: {  	s1 =	sld [smem:$0x3F9D];
	s0 =	simm.s32 @p0 $0x1  }
0x13: {  	[smem:$0x3FB8] =	sst s0;
	s0 =	simm.s32 @!p1 $0x0  }
0x14: {  	s2 =	sld [smem:$0x3F9C];
	s0 =	simm.s32 @p1 $0x1  }
0x15: {  	[smem:$0x3FB9] =	sst s0;
	s0 =	simm.s32 @!p2 $0x0  }
0x16: {  	s3 =	sld [smem:$0x3FDB];
	s0 =	simm.s32 @p2 $0x1  }
0x17: {  	s4 =	simm.s32 $0x1BF5;
	[smem:$0x3FBB] =	sst s0  }
0x18: {  	s0 =	sld [smem:$0x3F9E];
	_ =	swait.ge [sflag:s4], $0x0  }
0x19: {  	s7 =	sld [smem:$0x3F9F]  }
0x1a: {  	s8 =	sadd.s32 $0xFFFFE003, lr  }
0x1b: {  	s9 =	sadd.s32 $0xFFFFFEF7, lr;
	s5 =	simm.s32 $0xFFFFFFFF;
	p2 =	slt.u32 s8, $0xFFFFF086  }
0x1c: {  	p1 =	slt.u32 s9, $0xF7A;
	s5 =	simm.s32 @!p2 $0x0  }
0x1d: {  	s5 =	simm.s32 @p1 $0x1;
	p0 =	seq.s32 s7, s2  }
0x1e: {  	s7 =	smul.u32 @!p0 $0xF7A, s2;
	p2 =	seq.s32 @!p0 s5, $0x0  }
0x1f: {  	s9 =	smul.u32 $0xF7A, s1;
	s8 =	simm.s32 @!p0 $0x1BF5;
	p2 =	por !p2, p0  }
0x20: {  	[sflag:s8] =	ssyncset.s32 @!p0 $0xFFFFF086;
	s6 =	sadd.s32 @!p0 s3, s7;
	s7 =	simm.s32 @!p0 $0x108  }
0x21: {  	s3 =	sadd.s32 s3, s9;
	s6 =	sadd.s32 @!p0 $0x88, s6;
	s7 =	simm.s32 @p2 $0x1082  }
0x22: {  	[simem:s7], [sflag:s8] =	dma.local @!p0 [hbm:s6], $0xF7A  }
0x23: {  	s9 =	sor.u32 $0xD0000000, s2;
	s6 =	simm.s32 $0x108;
	_ =	swait.ge @!p0 [sflag:s8], $0x0  }
0x24: {  	s3 =	sadd.s32 $0x88, s3;
	s6 =	simm.s32 @!p1 $0x1082;
	[sflag:s4] =	ssyncset.s32 $0xFFFFF086  }
0x25: {  	[simem:s6], [sflag:s4] =	dma.local [hbm:s3], $0xF7A  }
0x26: {  	[smem:$0x3F9F] =	sst s1;
	(tag) =	ssettag s2;
	_ =	strace s9  }
0x27: {  	s1 =	sld [smem:$0x3FAF]  }
0x28: {  	s2 =	sld [smem:$0x3FB0]  }
0x29: {  	s4 =	sld [smem:$0x3FB2]  }
0x2a: {  	p0 =	seq.s32 s5, $0x0;
	s5 =	sld [smem:$0x3FB3]  }
0x2b: {  	s6 =	sld [smem:$0x3FB4]  }
0x2c: {  	s7 =	sld [smem:$0x3FB5]  }
0x2d: {  	s3 =	simm.s32 $0x108;
	s8 =	sld [smem:$0x3FB6]  }
0x2e: {  	s3 =	simm.s32 @!p0 $0x1082;
	s9 =	sld [smem:$0x3FB7]  }
0x2f: {  	lr =	sadd.s32 s0, s3;
	s0 =	sld [smem:$0x3FAE]  }
0x30: {  	s3 =	sld [smem:$0x3FB1]  }
0x31: {  	[smem:$0x3FBA] =	sst s10  }
0x32: {  	s10 =	sld [smem:$0x3FB8];
	_ =	sdelay $0x3  }
0x33: {  	p0 =	seq.s32 s10, $0x1;
	s10 =	sld [smem:$0x3FBA];
	_ =	sdelay $0x3  }
0x34: {  	[smem:$0x3FBA] =	sst s10  }
0x35: {  	s10 =	sld [smem:$0x3FB9];
	_ =	sdelay $0x3  }
0x36: {  	p1 =	seq.s32 s10, $0x1;
	s10 =	sld [smem:$0x3FBA];
	_ =	sdelay $0x3  }
0x37: {  	[smem:$0x3FBA] =	sst s10  }
0x38: {  	s10 =	sld [smem:$0x3FBB]  }
0x39: {  	_ = 	snop;
	(pc) =	sbr.ind lr, $3  }
0x3a: {  	_ = 	snop  }
0x3b: {  	_ = 	snop  }
0x3c: {  	p2 =	seq.s32 s10, $0x1;
	s10 =	sld [smem:$0x3FBA]  }
0x3d: {  	_ =	shalt  }
0x3e: {  	_ =	shalt  }
0x3f: {  	_ =	shalt  }
0x40: {  	_ =	shalt  }
0x41: {  	_ =	shalt  }
0x42: {  	_ =	shalt  }
0x43: {  	_ =	shalt  }
0x44: {  	_ =	shalt  }
0x45: {  	_ =	shalt  }
0x46: {  	_ =	shalt  }
0x47: {  	_ =	shalt  }
0x48: {  	_ =	shalt  }
0x49: {  	_ =	shalt  }
0x4a: {  	_ =	shalt  }
0x4b: {  	_ =	shalt  }
0x4c: {  	_ =	shalt  }
0x4d: {  	_ =	shalt  }
0x4e: {  	_ =	shalt  }
0x4f: {  	_ =	shalt  }
0x50: {  	_ =	shalt  }
0x51: {  	_ =	shalt  }
0x52: {  	_ =	shalt  }
0x53: {  	_ =	shalt  }
0x54: {  	_ =	shalt  }
0x55: {  	_ =	shalt  }
0x56: {  	_ =	shalt  }
0x57: {  	_ =	shalt  }
0x58: {  	_ =	shalt  }
0x59: {  	_ =	shalt  }
0x5a: {  	_ =	shalt  }
0x5b: {  	_ =	shalt  }
0x5c: {  	_ =	shalt  }
0x5d: {  	_ =	shalt  }
0x5e: {  	_ =	shalt  }
0x5f: {  	_ =	shalt  }
0x60: {  	_ =	shalt  }
0x61: {  	_ =	shalt  }
0x62: {  	_ =	shalt  }
0x63: {  	_ =	shalt  }
0x64: {  	_ =	shalt  }
0x65: {  	_ =	shalt  }
0x66: {  	_ =	shalt  }
0x67: {  	_ =	shalt  }
0x68: {  	_ =	shalt  }
0x69: {  	_ =	shalt  }
0x6a: {  	_ =	shalt  }
0x6b: {  	_ =	shalt  }
0x6c: {  	_ =	shalt  }
0x6d: {  	_ =	shalt  }
0x6e: {  	_ =	shalt  }
0x6f: {  	_ =	shalt  }
0x70: {  	_ =	shalt  }
0x71: {  	_ =	shalt  }
0x72: {  	_ =	shalt  }
0x73: {  	_ =	shalt  }
0x74: {  	_ =	shalt  }
0x75: {  	_ =	shalt  }
0x76: {  	_ =	shalt  }
0x77: {  	_ =	shalt  }
0x78: {  	_ =	shalt  }
0x79: {  	_ =	shalt  }
0x7a: {  	_ =	shalt  }
0x7b: {  	_ =	shalt  }
0x7c: {  	_ =	shalt  }
0x7d: {  	_ =	shalt  }
0x7e: {  	_ =	shalt  }
0x7f: {  	_ =	shalt  }
0x80: {  	_ =	shalt  }
0x81: {  	_ =	shalt  }
0x82: {  	_ =	shalt  }
0x83: {  	_ =	shalt  }
0x84: {  	_ =	shalt  }
0x85: {  	_ =	shalt  }
0x86: {  	_ =	shalt  }
0x87: {  	_ =	shalt  }
.Lfunc_end0:
.L_simem_size_0:
called_computation_lowered:
.L_overlay_start_0:
0x88: {  	s2 =	sld [smem:$0x3FD9]  }
0x89: {  	s3 =	sld [smem:$0x3FFE];
	_ =	sdelay $0x1  }
0x8a: {  	s1 =	srdreg.scid  }
0x8b: {  	s0 =	sand.u32 $0x1, s1  }
0x8c: {  	s14 =	sshll.u32 s0, $0xA;
	s2 =	sadd.s32 s3, s2  }
0x8d: {  	s2 =	sadd.s32 s2, s14  }
0x8e: {  	[smem:$0x3FC6] =	sst s2  }
0x8f: {  	_ = 	snop  }
0x90: {  	s2 =	sld [smem:$0x3FD0];
	_ =	sdelay $0x2  }
0x91: {  	s4 =	simm.s32 $0xA;
	s5 =	simm.s32 $0x10;
	s15 =	sld [smem:$0x3FC8]  }
0x92: {  	[smem:s5], [sflag:s4] =	dma.local [hbm:s2], $0x1  }
0x93: {  	_ =	swait.eq [sflag:s4], $0x1  }
0x94: {  	[sflag:s4] =	ssyncset.done $0x0  }
0x95: {  	[sflag:s4] =	ssyncadd.s32 $0xFFFFFFFF  }
0x96: {  	s16 =	sld [smem:$0x10];
	(tm) =	ssettm $0x1  }
0x97: {  	s17 =	sld [smem:$0x3FFB];
	_ =	sdelay $0x3  }
0x98: {  	_ =	strace s17  }
0x99: {  	s4 =	sld [smem:$0x3FFC];
	_ =	sdelay $0x3  }
0x9a: {  	_ =	strace s4  }
0x9b: {  	s4 =	sld [smem:$0x3FFD];
	_ =	sdelay $0x3  }
0x9c: {  	_ =	strace s4  }
0x9d: {  	_ =	strace $0x8FFFFFFF  }
0x9e: {  	s18 =	sld [smem:$0x3FDB];
	_ =	sdelay $0x1  }
0x9f: {  	s19 =	simm.s32 $_scs_section_size  }
0xa0: {  	s6 =	simm.s32 $_size__tile_overlayer_lowered;
	s7 =	simm.s32 $_tile_overlayer_lowered  }
0xa1: {  	s22 =	simm.s32 $0x1BFF;
	s21 =	sshll.u32 s7, $0x1;
	s4 =	sadd.s32 s19, s18  }
0xa2: {  	s8 =	simm.s32 $0x0;
	s20 =	sshll.u32 s6, $0x1;
	s6 =	sadd.s32 s21, s4  }
0xa3: {  	[timem:s8], [sflag:s22] =	dma.local [hbm:s6], s20  }
0xa4: {  	_ =	swait.ge [sflag:s22], s20  }
0xa5: {  	s5 =	ssub.s32 $0x0, s20;
	[sflag:s22] =	ssyncset.done $0x0  }
0xa6: {  	[sflag:s22] =	ssyncadd.s32 s5;
	_ =	sdelay $0x1  }
0xa7: {  	s23 =	simm.s32 $0x1B8B  }
0xa8: {  	_ =	swait.ge [sflag:s23], $0x1  }
0xa9: {  	[sflag:s23] =	ssyncset.done $0x0  }
0xaa: {  	s25 =	simm.s32 $0x1B8E;
	s24 =	sld [smem:$0x3FFE];
	[sflag:s23] =	ssyncadd.s32 $0xFFFFFFFF  }
0xab: {  	s26 =	simm.s32 $execute0_lowered;
	[smem:$0x3FD2] =	sst s25  }
0xac: {  	s6 =	sshll.u32 s26, $0x1;
	_ =	strace $0x80000046;
	[dreg:$0x1] =	wrdreg $0xFFFFFFFF  }
0xad: {  	s28 =	simm.s32 $_size_execute0_lowered;
	s4 =	sadd.s32 s4, s6;
	[dreg:$0x0] =	wrdreg $0x0  }
0xae: {  	s6 =	sshll.u32 s28, $0x1;
	[dreg:$0x2] =	wrdreg s4  }
0xaf: {  	[dreg:$0x3] =	wrdreg s6  }
0xb0: {  	[dreg:$0x4] =	wrdreg $0xC0  }
0xb1: {  	_ =	task [dreg:s8], $0x5FFFF  }
0xb2: {  	[dreg:$0x1] =	wrdreg $0xFFFFFFFF  }
0xb3: {  	[dreg:$0x0] =	wrdreg $0x60  }
0xb4: {  	[dreg:$0x2] =	wrdreg s15  }
0xb5: {  	[dreg:$0x3] =	wrdreg s16  }
0xb6: {  	[dreg:$0x4] =	wrdreg s24  }
0xb7: {  	[dreg:$0x5] =	wrdreg $0x9  }
0xb8: {  	_ =	task.clear_ibuf [dreg:s8], $0x6FFFF;
	_ =	strace $0x90000046  }
0xb9: {  	s29 =	simm.s32 $0x9;
	_ =	strace $0x80000048  }
0xba: {  	_ =	swait.ge [sflag:s29], $0x1  }
0xbb: {  	[sflag:s29] =	ssyncadd.s32 $0xFFFFFFFF  }
0xbc: {  	_ =	strace $0x90000048  }
0xbd: {  	_ =	sfence  }
0xbe: {  	s30 =	sld [smem:$0x0];
	_ =	sdelay $0x2  }
0xbf: {  	s31 =	sshll.u32 s1, $0xD;
	s1 =	sshrl.u32 s1, $0x2  }
0xc0: {  	s3 =	sand.u32 $0x4000, s31;
	s1 =	sadd.s32 s1, s30  }
0xc1: {  	s0 =	sor.u32 s3, s0;
	s1 =	sshll.u32 s1, $0x11  }
0xc2: {  	s0 =	sor.u32 s1, s0  }
0xc3: {  	s0 =	sadd.s32 $0x8F2B, s0  }
0xc4: {  	[sflag:s0] =	ssyncadd.remote.s32 $0x1  }
0xc5: {  	_ =	sfence.sel $0xFFFF  }
0xc6: {  	[dreg:$0x0] =	wrdreg $0xFFFFFFFF;
	(pc) =	sbr.abs _section_cstart, $3  }
0xc7: {  	[dreg:$0x1] =	wrdreg $0xFFFFFFFF  }
0xc8: {  	_ =	task.clear_ibuf [dreg:s8], $0x2FFFF;
	_ =	strace $0x9FFFFFFF  }
0xc9: {  	(tm) =	ssettm $0x7FFFFFFF  }
tec
execute0_lowered:
.L_overlay_start_1:
0x0: {  	(tag) =	ssettag $0x1  }
0x1: {  	s1 =	rddreg [dreg:$0x0];
	s0 =	srdreg.scid  }
0x2: {  	s2 =	rddreg [dreg:$0x1];
	s3 =	stileid.u32  }
0x3: {  	s4 =	rddreg [dreg:$0x2];
	s14 =	simm.s32 $0x3;
	s15 =	simm.s32 $0x2  }
0x4: {  	s28 =	simm.s32 $0x4900;
	s29 =	simm.s32 $0x5100;
	s30 =	simm.s32 $0x5900  }
0x5: {  	s31 =	simm.s32 $0x6100;
	s9 =	simm.s32 $0x8900;
	s10 =	simm.s32 $0x9100  }
0x6: {  	s11 =	simm.s32 $0x9900;
	s12 =	simm.s32 $0xA100;
	s0 =	sand.u32 $0x1, s0  }
0x7: {  	s5 =	sshll.u32 s3, $0xA;
	s3 =	simm.s32 $0x0;
	s6 =	sshll.u32 s0, $0x9  }
0x8: {  	[smem:$0x7FF] =	sst s3;
	s0 =	ssub.s32 $0x2, s0;
	s5 =	sor.u32 s6, s5  }
0x9: {  	_ =	strace $0x80000047;
	s25 =	sshrl.u32 s0, $0x1;
	s6 =	sshrl.u32 s5, $0x3  }
0xa: {  	s7 =	sor.u32 $0x80, s5;
	s17 =	sshll.u32 s5, $0x5;
	s19 =	sor.u32 $0x100, s5  }
0xb: {  	s5 =	sor.u32 $0x180, s5;
	s0 =	ssub.s32 s0, s25;
	s25 =	simm.s32 $0x3900  }
0xc: {  	s6 =	sadd.s32 s2, s6;
	s8 =	sshrl.u32 s7, $0x3;
	s18 =	sadd.s32 s4, s17  }
0xd: {  	s20 =	sshrl.u32 s19, $0x3;
	s7 =	sshll.u32 s7, $0x5;
	s22 =	sshrl.u32 s5, $0x3  }
0xe: {  	s23 =	sshll.u32 s19, $0x5;
	s5 =	sshll.u32 s5, $0x5;
	[dreg:$0x4] =	wrdreg s6  }
0xf: {  	s19 =	simm.s32 $0x1100;
	s16 =	sadd.s32 s2, s8;
	[dreg:$0x6] =	wrdreg s18  }
0x10: {  	s6 =	sadd.s32 s2, s20;
	s21 =	sadd.s32 s4, s7;
	s2 =	sadd.s32 s2, s22  }
0x11: {  	s24 =	sadd.s32 s4, s23;
	s26 =	sadd.s32 s4, s5;
	[dreg:$0x5] =	wrdreg s16  }
0x12: {  	s4 =	smax.u32 s0, $0x1;
	s5 =	simm.s32 $0x5;
	[dreg:$0x7] =	wrdreg s6  }
0x13: {  	s8 =	simm.s32 $0x1;
	s18 =	simm.s32 $0x900;
	[dreg:$0x8] =	wrdreg s21  }
0x14: {  	s20 =	simm.s32 $0x1900;
	s22 =	simm.s32 $0x2900;
	[dreg:$0x9] =	wrdreg s2  }
0x15: {  	v2 =	vlaneseq.u32;
	s7 =	simm.s32 $0x7900;
	s23 =	simm.s32 $0xA900;
	[dreg:$0xa] =	wrdreg s24  }
0x16: {  	vm0 =	vmmov $0xffff;
	v1 =	vshrl.u32 v2, $0x3;
	[dreg:$0xb] =	wrdreg s26;
	s16 =	simm.s32 $0x4;
	s21 =	simm.s32 $0x2100  }
0x17: {  	v0 =	vand.u32 $0x7, v2;
	v2 =	vor.u32 $0x8, v2;
	v1 =	vmul.u32 $0x8, v1;
	s24 =	simm.s32 $0x3100;
	s26 =	simm.s32 $0x4100;
	s6 =	simm.s32 $0x7100  }
.LBB2_1:
0x18: {  	s17 =	rddreg [dreg:$0x4]  }
0x19: {  	[tilespmem:s3], [sflag:$0x5] =	stream.linear.gather [hbm4b:s17+s3], $0x80, $0x38;
	[tilespmem:$0x10100] =	vst v63  }
0x1a: {  	_ =	swait.ge [sflag:s5], $0x80  }
0x1b: {  	[sflag:s5] =	ssyncset.done $0x0  }
0x1c: {  	[sflag:s5] =	ssyncadd.s32 $0xFFFFFF80  }
0x1d: {  	v3 =	vld [tilespmem:$0x0];
	_ =	sdelay $0x4  }
0x1e: {  	v4 =	vshll.u32 v3, $0x1  }
0x1f: {  	v3 =	vand.u32 $0x7, v3;
	v4 =	vand.u32 $0xFFFFFFF0, v4  }
0x20: {  	v3 =	vor.u32 v3, v4  }
0x21: {  	v4 =	vperm.xlane v3, v0;
	_ =	sdelay $0x1  }
0x22: {  	v3 =	vperm.xlane v3, v2;
	v4 =	vadd.s32 v1, v4;
	_ =	sdelay $0x1  }
0x23: {  	v3 =	vadd.s32 v1, v3;
	_ =	sdelay $0x1  }
0x24: {  	s0 =	simm.s32 $0x100  }
0x25: {  	[tilespmem:s0], [sflag:$0x1] =	stream.indirect_vreg.gather [hbm4b:s1+s3], $0x80, v4, vm0, $0xb8;
	[tilespmem:$0x10100] =	vst v63  }
0x26: {  	_ = 	snop  }
0x27: {  	[tilespmem:s18], [sflag:$0x1] =	stream.indirect_vreg.gather [hbm4b:s1+s3], $0x80, v3, vm0, $0xb8;
	[tilespmem:$0x10100] =	vst v63  }
0x28: {  	v3 =	vld [tilespmem:$0x10];
	_ =	sdelay $0x4  }
0x29: {  	v33 =	vshll.u32 v3, $0x1  }
0x2a: {  	v3 =	vand.u32 $0x7, v3;
	v4 =	vand.u32 $0xFFFFFFF0, v33  }
0x2b: {  	v3 =	vor.u32 v3, v4  }
0x2c: {  	v4 =	vperm.xlane v3, v0;
	_ =	sdelay $0x1  }
0x2d: {  	v3 =	vperm.xlane v3, v2;
	v4 =	vadd.s32 v1, v4;
	_ =	sdelay $0x1  }
0x2e: {  	v3 =	vadd.s32 v1, v3;
	_ =	sdelay $0x2  }
0x2f: {  	[tilespmem:s19], [sflag:$0x1] =	stream.indirect_vreg.gather [hbm4b:s1+s3], $0x80, v4, vm0, $0xb8;
	[tilespmem:$0x10100] =	vst v63  }
0x30: {  	_ = 	snop  }
0x31: {  	[tilespmem:s20], [sflag:$0x1] =	stream.indirect_vreg.gather [hbm4b:s1+s3], $0x80, v3, vm0, $0xb8;
	[tilespmem:$0x10100] =	vst v63  }
0x32: {  	v3 =	vld [tilespmem:$0x20];
	_ =	sdelay $0x4  }
0x33: {  	v34 =	vshll.u32 v3, $0x1  }
0x34: {  	v3 =	vand.u32 $0x7, v3;
	v4 =	vand.u32 $0xFFFFFFF0, v34  }
0x35: {  	v3 =	vor.u32 v3, v4  }
0x36: {  	v4 =	vperm.xlane v3, v0;
	_ =	sdelay $0x1  }
0x37: {  	v3 =	vperm.xlane v3, v2;
	v4 =	vadd.s32 v1, v4;
	_ =	sdelay $0x1  }
0x38: {  	v3 =	vadd.s32 v1, v3;
	_ =	sdelay $0x2  }
0x39: {  	[tilespmem:s21], [sflag:$0x1] =	stream.indirect_vreg.gather [hbm4b:s1+s3], $0x80, v4, vm0, $0xb8;
	[tilespmem:$0x10100] =	vst v63  }
0x3a: {  	_ = 	snop  }
0x3b: {  	[tilespmem:s22], [sflag:$0x1] =	stream.indirect_vreg.gather [hbm4b:s1+s3], $0x80, v3, vm0, $0xb8;
	[tilespmem:$0x10100] =	vst v63  }
0x3c: {  	v3 =	vld [tilespmem:$0x30];
	_ =	sdelay $0x4  }
0x3d: {  	v35 =	vshll.u32 v3, $0x1  }
0x3e: {  	v3 =	vand.u32 $0x7, v3;
	v4 =	vand.u32 $0xFFFFFFF0, v35  }
0x3f: {  	v3 =	vor.u32 v3, v4  }
0x40: {  	v4 =	vperm.xlane v3, v0;
	_ =	sdelay $0x1  }
0x41: {  	v3 =	vperm.xlane v3, v2;
	v4 =	vadd.s32 v1, v4;
	_ =	sdelay $0x1  }
0x42: {  	v3 =	vadd.s32 v1, v3;
	_ =	sdelay $0x2  }
0x43: {  	[tilespmem:s24], [sflag:$0x1] =	stream.indirect_vreg.gather [hbm4b:s1+s3], $0x80, v4, vm0, $0xb8;
	[tilespmem:$0x10100] =	vst v63  }
0x44: {  	_ = 	snop  }
0x45: {  	[tilespmem:s25], [sflag:$0x1] =	stream.indirect_vreg.gather [hbm4b:s1+s3], $0x80, v3, vm0, $0xb8;
	[tilespmem:$0x10100] =	vst v63  }
0x46: {  	v3 =	vld [tilespmem:$0x40];
	_ =	sdelay $0x4  }
0x47: {  	v36 =	vshll.u32 v3, $0x1  }
0x48: {  	v3 =	vand.u32 $0x7, v3;
	v4 =	vand.u32 $0xFFFFFFF0, v36  }
0x49: {  	v3 =	vor.u32 v3, v4  }
0x4a: {  	v4 =	vperm.xlane v3, v0;
	_ =	sdelay $0x1  }
0x4b: {  	v3 =	vperm.xlane v3, v2;
	v4 =	vadd.s32 v1, v4;
	_ =	sdelay $0x1  }
0x4c: {  	v3 =	vadd.s32 v1, v3;
	_ =	sdelay $0x2  }
0x4d: {  	[tilespmem:s26], [sflag:$0x1] =	stream.indirect_vreg.gather [hbm4b:s1+s3], $0x80, v4, vm0, $0xb8;
	[tilespmem:$0x10100] =	vst v63  }
0x4e: {  	_ = 	snop  }
0x4f: {  	[tilespmem:s28], [sflag:$0x1] =	stream.indirect_vreg.gather [hbm4b:s1+s3], $0x80, v3, vm0, $0xb8;
	[tilespmem:$0x10100] =	vst v63  }
0x50: {  	v3 =	vld [tilespmem:$0x50];
	_ =	sdelay $0x4  }
0x51: {  	v37 =	vshll.u32 v3, $0x1  }
0x52: {  	v3 =	vand.u32 $0x7, v3;
	v4 =	vand.u32 $0xFFFFFFF0, v37  }
0x53: {  	v3 =	vor.u32 v3, v4  }
0x54: {  	v4 =	vperm.xlane v3, v0;
	_ =	sdelay $0x1  }
0x55: {  	v3 =	vperm.xlane v3, v2;
	v4 =	vadd.s32 v1, v4;
	_ =	sdelay $0x1  }
0x56: {  	v3 =	vadd.s32 v1, v3;
	_ =	sdelay $0x2  }
0x57: {  	[tilespmem:s29], [sflag:$0x1] =	stream.indirect_vreg.gather [hbm4b:s1+s3], $0x80, v4, vm0, $0xb8;
	[tilespmem:$0x10100] =	vst v63  }
0x58: {  	_ = 	snop  }
0x59: {  	[tilespmem:s30], [sflag:$0x1] =	stream.indirect_vreg.gather [hbm4b:s1+s3], $0x80, v3, vm0, $0xb8;
	[tilespmem:$0x10100] =	vst v63  }
0x5a: {  	v3 =	vld [tilespmem:$0x60];
	_ =	sdelay $0x4  }
0x5b: {  	v38 =	vshll.u32 v3, $0x1  }
0x5c: {  	v3 =	vand.u32 $0x7, v3;
	v4 =	vand.u32 $0xFFFFFFF0, v38  }
0x5d: {  	v3 =	vor.u32 v3, v4  }
0x5e: {  	v4 =	vperm.xlane v3, v0;
	_ =	sdelay $0x1  }
0x5f: {  	v3 =	vperm.xlane v3, v2;
	v4 =	vadd.s32 v1, v4;
	_ =	sdelay $0x1  }
0x60: {  	v3 =	vadd.s32 v1, v3;
	_ =	sdelay $0x2  }
0x61: {  	[tilespmem:s31], [sflag:$0x1] =	stream.indirect_vreg.gather [hbm4b:s1+s3], $0x80, v4, vm0, $0xb8;
	[tilespmem:$0x10100] =	vst v63  }
0x62: {  	s2 =	simm.s32 $0x6900  }
0x63: {  	[tilespmem:s2], [sflag:$0x1] =	stream.indirect_vreg.gather [hbm4b:s1+s3], $0x80, v3, vm0, $0xb8;
	[tilespmem:$0x10100] =	vst v63  }
0x64: {  	v3 =	vld [tilespmem:$0x70];
	_ =	sdelay $0x4  }
0x65: {  	v39 =	vshll.u32 v3, $0x1  }
0x66: {  	v3 =	vand.u32 $0x7, v3;
	v4 =	vand.u32 $0xFFFFFFF0, v39  }
0x67: {  	v3 =	vor.u32 v3, v4  }
0x68: {  	v4 =	vperm.xlane v3, v0;
	_ =	sdelay $0x1  }
0x69: {  	v3 =	vperm.xlane v3, v2;
	v4 =	vadd.s32 v1, v4;
	_ =	sdelay $0x1  }
0x6a: {  	v3 =	vadd.s32 v1, v3;
	_ =	sdelay $0x2  }
0x6b: {  	[tilespmem:s6], [sflag:$0x1] =	stream.indirect_vreg.gather [hbm4b:s1+s3], $0x80, v4, vm0, $0xb8;
	[tilespmem:$0x10100] =	vst v63  }
0x6c: {  	_ = 	snop  }
0x6d: {  	[tilespmem:s7], [sflag:$0x1] =	stream.indirect_vreg.gather [hbm4b:s1+s3], $0x80, v3, vm0, $0xb8;
	[tilespmem:$0x10100] =	vst v63  }
0x6e: {  	s13 =	simm.s32 $0x80;
	s0 =	rddreg [dreg:$0x5]  }
0x6f: {  	[tilespmem:s13], [sflag:$0x5] =	stream.linear.gather [hbm4b:s0+s3], $0x80, $0x38;
	[tilespmem:$0x10100] =	vst v63  }
0x70: {  	_ =	swait.ge [sflag:s5], $0x80  }
0x71: {  	[sflag:s5] =	ssyncset.done $0x0  }
0x72: {  	[sflag:s5] =	ssyncadd.s32 $0xFFFFFF80  }
0x73: {  	v3 =	vld [tilespmem:$0x80];
	_ =	sdelay $0x4  }
0x74: {  	v40 =	vshll.u32 v3, $0x1  }
0x75: {  	v3 =	vand.u32 $0x7, v3;
	v4 =	vand.u32 $0xFFFFFFF0, v40  }
0x76: {  	v3 =	vor.u32 v3, v4  }
0x77: {  	v4 =	vperm.xlane v3, v0;
	_ =	sdelay $0x1  }
0x78: {  	v3 =	vperm.xlane v3, v2;
	v4 =	vadd.s32 v1, v4;
	_ =	sdelay $0x1  }
0x79: {  	v3 =	vadd.s32 v1, v3;
	_ =	sdelay $0x1  }
0x7a: {  	s0 =	simm.s32 $0x8100  }
0x7b: {  	[tilespmem:s0], [sflag:$0x2] =	stream.indirect_vreg.gather [hbm4b:s1+s3], $0x80, v4, vm0, $0xb8;
	[tilespmem:$0x10100] =	vst v63  }
0x7c: {  	_ = 	snop  }
0x7d: {  	[tilespmem:s9], [sflag:$0x2] =	stream.indirect_vreg.gather [hbm4b:s1+s3], $0x80, v3, vm0, $0xb8;
	[tilespmem:$0x10100] =	vst v63  }
0x7e: {  	v3 =	vld [tilespmem:$0x90];
	_ =	sdelay $0x4  }
0x7f: {  	v41 =	vshll.u32 v3, $0x1  }
0x80: {  	v3 =	vand.u32 $0x7, v3;
	v4 =	vand.u32 $0xFFFFFFF0, v41  }
0x81: {  	v3 =	vor.u32 v3, v4  }
0x82: {  	v4 =	vperm.xlane v3, v0;
	_ =	sdelay $0x1  }
0x83: {  	v3 =	vperm.xlane v3, v2;
	v4 =	vadd.s32 v1, v4;
	_ =	sdelay $0x1  }
0x84: {  	v3 =	vadd.s32 v1, v3;
	_ =	sdelay $0x2  }
0x85: {  	[tilespmem:s10], [sflag:$0x2] =	stream.indirect_vreg.gather [hbm4b:s1+s3], $0x80, v4, vm0, $0xb8;
	[tilespmem:$0x10100] =	vst v63  }
0x86: {  	_ = 	snop  }
0x87: {  	[tilespmem:s11], [sflag:$0x2] =	stream.indirect_vreg.gather [hbm4b:s1+s3], $0x80, v3, vm0, $0xb8;
	[tilespmem:$0x10100] =	vst v63  }
0x88: {  	v3 =	vld [tilespmem:$0xA0];
	_ =	sdelay $0x4  }
0x89: {  	v42 =	vshll.u32 v3, $0x1  }
0x8a: {  	v3 =	vand.u32 $0x7, v3;
	v4 =	vand.u32 $0xFFFFFFF0, v42  }
0x8b: {  	v3 =	vor.u32 v3, v4  }
0x8c: {  	v4 =	vperm.xlane v3, v0;
	_ =	sdelay $0x1  }
0x8d: {  	v3 =	vperm.xlane v3, v2;
	v4 =	vadd.s32 v1, v4;
	_ =	sdelay $0x1  }
0x8e: {  	v3 =	vadd.s32 v1, v3;
	_ =	sdelay $0x2  }
0x8f: {  	[tilespmem:s12], [sflag:$0x2] =	stream.indirect_vreg.gather [hbm4b:s1+s3], $0x80, v4, vm0, $0xb8;
	[tilespmem:$0x10100] =	vst v63  }
0x90: {  	_ = 	snop  }
0x91: {  	[tilespmem:s23], [sflag:$0x2] =	stream.indirect_vreg.gather [hbm4b:s1+s3], $0x80, v3, vm0, $0xb8;
	[tilespmem:$0x10100] =	vst v63  }
0x92: {  	v3 =	vld [tilespmem:$0xB0];
	_ =	sdelay $0x4  }
0x93: {  	v43 =	vshll.u32 v3, $0x1  }
0x94: {  	v3 =	vand.u32 $0x7, v3;
	v4 =	vand.u32 $0xFFFFFFF0, v43  }
0x95: {  	v3 =	vor.u32 v3, v4  }
0x96: {  	v4 =	vperm.xlane v3, v0;
	_ =	sdelay $0x1  }
0x97: {  	v3 =	vperm.xlane v3, v2;
	v4 =	vadd.s32 v1, v4;
	_ =	sdelay $0x1  }
0x98: {  	v3 =	vadd.s32 v1, v3;
	_ =	sdelay $0x1  }
0x99: {  	s13 =	simm.s32 $0xB100  }
0x9a: {  	[tilespmem:s13], [sflag:$0x2] =	stream.indirect_vreg.gather [hbm4b:s1+s3], $0x80, v4, vm0, $0xb8;
	[tilespmem:$0x10100] =	vst v63  }
0x9b: {  	s17 =	simm.s32 $0xB900  }
0x9c: {  	[tilespmem:s17], [sflag:$0x2] =	stream.indirect_vreg.gather [hbm4b:s1+s3], $0x80, v3, vm0, $0xb8;
	[tilespmem:$0x10100] =	vst v63  }
0x9d: {  	v3 =	vld [tilespmem:$0xC0];
	_ =	sdelay $0x4  }
0x9e: {  	v44 =	vshll.u32 v3, $0x1  }
0x9f: {  	v3 =	vand.u32 $0x7, v3;
	v4 =	vand.u32 $0xFFFFFFF0, v44  }
0xa0: {  	v3 =	vor.u32 v3, v4  }
0xa1: {  	v4 =	vperm.xlane v3, v0;
	_ =	sdelay $0x1  }
0xa2: {  	v3 =	vperm.xlane v3, v2;
	v4 =	vadd.s32 v1, v4;
	_ =	sdelay $0x1  }
0xa3: {  	v3 =	vadd.s32 v1, v3;
	_ =	sdelay $0x1  }
0xa4: {  	s17 =	simm.s32 $0xC100  }
0xa5: {  	[tilespmem:s17], [sflag:$0x2] =	stream.indirect_vreg.gather [hbm4b:s1+s3], $0x80, v4, vm0, $0xb8;
	[tilespmem:$0x10100] =	vst v63  }
0xa6: {  	s17 =	simm.s32 $0xC900  }
0xa7: {  	[tilespmem:s17], [sflag:$0x2] =	stream.indirect_vreg.gather [hbm4b:s1+s3], $0x80, v3, vm0, $0xb8;
	[tilespmem:$0x10100] =	vst v63  }
0xa8: {  	v3 =	vld [tilespmem:$0xD0];
	_ =	sdelay $0x4  }
0xa9: {  	v45 =	vshll.u32 v3, $0x1  }
0xaa: {  	v3 =	vand.u32 $0x7, v3;
	v4 =	vand.u32 $0xFFFFFFF0, v45  }
0xab: {  	v3 =	vor.u32 v3, v4  }
0xac: {  	v4 =	vperm.xlane v3, v0;
	_ =	sdelay $0x1  }
0xad: {  	v3 =	vperm.xlane v3, v2;
	v4 =	vadd.s32 v1, v4;
	_ =	sdelay $0x1  }
0xae: {  	v3 =	vadd.s32 v1, v3;
	_ =	sdelay $0x1  }
0xaf: {  	s17 =	simm.s32 $0xD100  }
0xb0: {  	[tilespmem:s17], [sflag:$0x2] =	stream.indirect_vreg.gather [hbm4b:s1+s3], $0x80, v4, vm0, $0xb8;
	[tilespmem:$0x10100] =	vst v63  }
0xb1: {  	s17 =	simm.s32 $0xD900  }
0xb2: {  	[tilespmem:s17], [sflag:$0x2] =	stream.indirect_vreg.gather [hbm4b:s1+s3], $0x80, v3, vm0, $0xb8;
	[tilespmem:$0x10100] =	vst v63  }
0xb3: {  	v3 =	vld [tilespmem:$0xE0];
	_ =	sdelay $0x4  }
0xb4: {  	v46 =	vshll.u32 v3, $0x1  }
0xb5: {  	v3 =	vand.u32 $0x7, v3;
	v4 =	vand.u32 $0xFFFFFFF0, v46  }
0xb6: {  	v3 =	vor.u32 v3, v4  }
0xb7: {  	v4 =	vperm.xlane v3, v0;
	_ =	sdelay $0x1  }
0xb8: {  	v3 =	vperm.xlane v3, v2;
	v4 =	vadd.s32 v1, v4;
	_ =	sdelay $0x1  }
0xb9: {  	v3 =	vadd.s32 v1, v3;
	_ =	sdelay $0x1  }
0xba: {  	s17 =	simm.s32 $0xE100  }
0xbb: {  	[tilespmem:s17], [sflag:$0x2] =	stream.indirect_vreg.gather [hbm4b:s1+s3], $0x80, v4, vm0, $0xb8;
	[tilespmem:$0x10100] =	vst v63  }
0xbc: {  	s17 =	simm.s32 $0xE900  }
0xbd: {  	[tilespmem:s17], [sflag:$0x2] =	stream.indirect_vreg.gather [hbm4b:s1+s3], $0x80, v3, vm0, $0xb8;
	[tilespmem:$0x10100] =	vst v63  }
0xbe: {  	v3 =	vld [tilespmem:$0xF0];
	_ =	sdelay $0x4  }
0xbf: {  	v47 =	vshll.u32 v3, $0x1  }
0xc0: {  	v3 =	vand.u32 $0x7, v3;
	v4 =	vand.u32 $0xFFFFFFF0, v47  }
0xc1: {  	v3 =	vor.u32 v3, v4  }
0xc2: {  	v4 =	vperm.xlane v3, v0;
	_ =	sdelay $0x1  }
0xc3: {  	v3 =	vperm.xlane v3, v2;
	v4 =	vadd.s32 v1, v4;
	_ =	sdelay $0x1  }
0xc4: {  	v3 =	vadd.s32 v1, v3;
	_ =	sdelay $0x1  }
0xc5: {  	s17 =	simm.s32 $0xF100  }
0xc6: {  	[tilespmem:s17], [sflag:$0x2] =	stream.indirect_vreg.gather [hbm4b:s1+s3], $0x80, v4, vm0, $0xb8;
	[tilespmem:$0x10100] =	vst v63  }
0xc7: {  	s17 =	simm.s32 $0xF900  }
0xc8: {  	[tilespmem:s17], [sflag:$0x2] =	stream.indirect_vreg.gather [hbm4b:s1+s3], $0x80, v3, vm0, $0xb8;
	[tilespmem:$0x10100] =	vst v63  }
0xc9: {  	_ =	swait.ge [sflag:s8], $0x8000  }
0xca: {  	[sflag:s8] =	ssyncset.done $0x0  }
0xcb: {  	s13 =	simm.s32 $0x100;
	s17 =	rddreg [dreg:$0x6];
	[sflag:s8] =	ssyncadd.s32 $0xFFFF8000  }
0xcc: {  	[hbm4b:s17+s3] =	stream.linear.scatter [tilespmem:s13], [sflag:$0x3], $0x8000, $0x38;
	[tilespmem:$0x10100] =	vst v63  }
0xcd: {  	_ =	swait.ge [sflag:s14], $0x8000  }
0xce: {  	[sflag:s14] =	ssyncset.done $0x0  }
0xcf: {  	s17 =	rddreg [dreg:$0x7];
	[sflag:s14] =	ssyncadd.s32 $0xFFFF8000  }
0xd0: {  	[tilespmem:s3], [sflag:$0x5] =	stream.linear.gather [hbm4b:s17+s3], $0x80, $0x38;
	[tilespmem:$0x10100] =	vst v63  }
0xd1: {  	_ =	swait.ge [sflag:s5], $0x80  }
0xd2: {  	[sflag:s5] =	ssyncset.done $0x0  }
0xd3: {  	[sflag:s5] =	ssyncadd.s32 $0xFFFFFF80  }
0xd4: {  	v3 =	vld [tilespmem:$0x0];
	_ =	sdelay $0x4  }
0xd5: {  	v48 =	vshll.u32 v3, $0x1  }
0xd6: {  	v3 =	vand.u32 $0x7, v3;
	v4 =	vand.u32 $0xFFFFFFF0, v48  }
0xd7: {  	v3 =	vor.u32 v3, v4  }
0xd8: {  	v4 =	vperm.xlane v3, v0;
	_ =	sdelay $0x1  }
0xd9: {  	v3 =	vperm.xlane v3, v2;
	v4 =	vadd.s32 v1, v4;
	_ =	sdelay $0x1  }
0xda: {  	v3 =	vadd.s32 v1, v3;
	_ =	sdelay $0x2  }
0xdb: {  	[tilespmem:s13], [sflag:$0x1] =	stream.indirect_vreg.gather [hbm4b:s1+s3], $0x80, v4, vm0, $0xb8;
	[tilespmem:$0x10100] =	vst v63  }
0xdc: {  	_ = 	snop  }
0xdd: {  	[tilespmem:s18], [sflag:$0x1] =	stream.indirect_vreg.gather [hbm4b:s1+s3], $0x80, v3, vm0, $0xb8;
	[tilespmem:$0x10100] =	vst v63  }
0xde: {  	v3 =	vld [tilespmem:$0x10];
	_ =	sdelay $0x4  }
0xdf: {  	v49 =	vshll.u32 v3, $0x1  }
0xe0: {  	v3 =	vand.u32 $0x7, v3;
	v4 =	vand.u32 $0xFFFFFFF0, v49  }
0xe1: {  	v3 =	vor.u32 v3, v4  }
0xe2: {  	v4 =	vperm.xlane v3, v0;
	_ =	sdelay $0x1  }
0xe3: {  	v3 =	vperm.xlane v3, v2;
	v4 =	vadd.s32 v1, v4;
	_ =	sdelay $0x1  }
0xe4: {  	v3 =	vadd.s32 v1, v3;
	_ =	sdelay $0x2  }
0xe5: {  	[tilespmem:s19], [sflag:$0x1] =	stream.indirect_vreg.gather [hbm4b:s1+s3], $0x80, v4, vm0, $0xb8;
	[tilespmem:$0x10100] =	vst v63  }
0xe6: {  	_ = 	snop  }
0xe7: {  	[tilespmem:s20], [sflag:$0x1] =	stream.indirect_vreg.gather [hbm4b:s1+s3], $0x80, v3, vm0, $0xb8;
	[tilespmem:$0x10100] =	vst v63  }
0xe8: {  	v3 =	vld [tilespmem:$0x20];
	_ =	sdelay $0x4  }
0xe9: {  	v50 =	vshll.u32 v3, $0x1  }
0xea: {  	v3 =	vand.u32 $0x7, v3;
	v4 =	vand.u32 $0xFFFFFFF0, v50  }
0xeb: {  	v3 =	vor.u32 v3, v4  }
0xec: {  	v4 =	vperm.xlane v3, v0;
	_ =	sdelay $0x1  }
0xed: {  	v3 =	vperm.xlane v3, v2;
	v4 =	vadd.s32 v1, v4;
	_ =	sdelay $0x1  }
0xee: {  	v3 =	vadd.s32 v1, v3;
	_ =	sdelay $0x2  }
0xef: {  	[tilespmem:s21], [sflag:$0x1] =	stream.indirect_vreg.gather [hbm4b:s1+s3], $0x80, v4, vm0, $0xb8;
	[tilespmem:$0x10100] =	vst v63  }
0xf0: {  	_ = 	snop  }
0xf1: {  	[tilespmem:s22], [sflag:$0x1] =	stream.indirect_vreg.gather [hbm4b:s1+s3], $0x80, v3, vm0, $0xb8;
	[tilespmem:$0x10100] =	vst v63  }
0xf2: {  	v3 =	vld [tilespmem:$0x30];
	_ =	sdelay $0x4  }
0xf3: {  	v51 =	vshll.u32 v3, $0x1  }
0xf4: {  	v3 =	vand.u32 $0x7, v3;
	v4 =	vand.u32 $0xFFFFFFF0, v51  }
0xf5: {  	v3 =	vor.u32 v3, v4  }
0xf6: {  	v4 =	vperm.xlane v3, v0;
	_ =	sdelay $0x1  }
0xf7: {  	v3 =	vperm.xlane v3, v2;
	v4 =	vadd.s32 v1, v4;
	_ =	sdelay $0x1  }
0xf8: {  	v3 =	vadd.s32 v1, v3;
	_ =	sdelay $0x2  }
0xf9: {  	[tilespmem:s24], [sflag:$0x1] =	stream.indirect_vreg.gather [hbm4b:s1+s3], $0x80, v4, vm0, $0xb8;
	[tilespmem:$0x10100] =	vst v63  }
0xfa: {  	_ = 	snop  }
0xfb: {  	[tilespmem:s25], [sflag:$0x1] =	stream.indirect_vreg.gather [hbm4b:s1+s3], $0x80, v3, vm0, $0xb8;
	[tilespmem:$0x10100] =	vst v63  }
0xfc: {  	v3 =	vld [tilespmem:$0x40];
	_ =	sdelay $0x4  }
0xfd: {  	v52 =	vshll.u32 v3, $0x1  }
0xfe: {  	v3 =	vand.u32 $0x7, v3;
	v4 =	vand.u32 $0xFFFFFFF0, v52  }
0xff: {  	v3 =	vor.u32 v3, v4  }
0x100: {  	v4 =	vperm.xlane v3, v0;
	_ =	sdelay $0x1  }
0x101: {  	v3 =	vperm.xlane v3, v2;
	v4 =	vadd.s32 v1, v4;
	_ =	sdelay $0x1  }
0x102: {  	v3 =	vadd.s32 v1, v3;
	_ =	sdelay $0x2  }
0x103: {  	[tilespmem:s26], [sflag:$0x1] =	stream.indirect_vreg.gather [hbm4b:s1+s3], $0x80, v4, vm0, $0xb8;
	[tilespmem:$0x10100] =	vst v63  }
0x104: {  	_ = 	snop  }
0x105: {  	[tilespmem:s28], [sflag:$0x1] =	stream.indirect_vreg.gather [hbm4b:s1+s3], $0x80, v3, vm0, $0xb8;
	[tilespmem:$0x10100] =	vst v63  }
0x106: {  	v3 =	vld [tilespmem:$0x50];
	_ =	sdelay $0x4  }
0x107: {  	v53 =	vshll.u32 v3, $0x1  }
0x108: {  	v3 =	vand.u32 $0x7, v3;
	v4 =	vand.u32 $0xFFFFFFF0, v53  }
0x109: {  	v3 =	vor.u32 v3, v4  }
0x10a: {  	v4 =	vperm.xlane v3, v0;
	_ =	sdelay $0x1  }
0x10b: {  	v3 =	vperm.xlane v3, v2;
	v4 =	vadd.s32 v1, v4;
	_ =	sdelay $0x1  }
0x10c: {  	v3 =	vadd.s32 v1, v3;
	_ =	sdelay $0x2  }
0x10d: {  	[tilespmem:s29], [sflag:$0x1] =	stream.indirect_vreg.gather [hbm4b:s1+s3], $0x80, v4, vm0, $0xb8;
	[tilespmem:$0x10100] =	vst v63  }
0x10e: {  	_ = 	snop  }
0x10f: {  	[tilespmem:s30], [sflag:$0x1] =	stream.indirect_vreg.gather [hbm4b:s1+s3], $0x80, v3, vm0, $0xb8;
	[tilespmem:$0x10100] =	vst v63  }
0x110: {  	v3 =	vld [tilespmem:$0x60];
	_ =	sdelay $0x4  }
0x111: {  	v54 =	vshll.u32 v3, $0x1  }
0x112: {  	v3 =	vand.u32 $0x7, v3;
	v4 =	vand.u32 $0xFFFFFFF0, v54  }
0x113: {  	v3 =	vor.u32 v3, v4  }
0x114: {  	v4 =	vperm.xlane v3, v0;
	_ =	sdelay $0x1  }
0x115: {  	v3 =	vperm.xlane v3, v2;
	v4 =	vadd.s32 v1, v4;
	_ =	sdelay $0x1  }
0x116: {  	v3 =	vadd.s32 v1, v3;
	_ =	sdelay $0x2  }
0x117: {  	[tilespmem:s31], [sflag:$0x1] =	stream.indirect_vreg.gather [hbm4b:s1+s3], $0x80, v4, vm0, $0xb8;
	[tilespmem:$0x10100] =	vst v63  }
0x118: {  	_ = 	snop  }
0x119: {  	[tilespmem:s2], [sflag:$0x1] =	stream.indirect_vreg.gather [hbm4b:s1+s3], $0x80, v3, vm0, $0xb8;
	[tilespmem:$0x10100] =	vst v63  }
0x11a: {  	v3 =	vld [tilespmem:$0x70];
	_ =	sdelay $0x4  }
0x11b: {  	v55 =	vshll.u32 v3, $0x1  }
0x11c: {  	v3 =	vand.u32 $0x7, v3;
	v4 =	vand.u32 $0xFFFFFFF0, v55  }
0x11d: {  	v3 =	vor.u32 v3, v4  }
0x11e: {  	v4 =	vperm.xlane v3, v0;
	_ =	sdelay $0x1  }
0x11f: {  	v3 =	vperm.xlane v3, v2;
	v4 =	vadd.s32 v1, v4;
	_ =	sdelay $0x1  }
0x120: {  	v3 =	vadd.s32 v1, v3;
	_ =	sdelay $0x2  }
0x121: {  	[tilespmem:s6], [sflag:$0x1] =	stream.indirect_vreg.gather [hbm4b:s1+s3], $0x80, v4, vm0, $0xb8;
	[tilespmem:$0x10100] =	vst v63  }
0x122: {  	_ = 	snop  }
0x123: {  	[tilespmem:s7], [sflag:$0x1] =	stream.indirect_vreg.gather [hbm4b:s1+s3], $0x80, v3, vm0, $0xb8;
	[tilespmem:$0x10100] =	vst v63  }
0x124: {  	_ =	swait.ge [sflag:s15], $0x8000  }
0x125: {  	[sflag:s15] =	ssyncset.done $0x0  }
0x126: {  	s2 =	rddreg [dreg:$0x8];
	[sflag:s15] =	ssyncadd.s32 $0xFFFF8000  }
0x127: {  	[hbm4b:s2+s3] =	stream.linear.scatter [tilespmem:s0], [sflag:$0x4], $0x8000, $0x38;
	[tilespmem:$0x10100] =	vst v63  }
0x128: {  	_ =	swait.ge [sflag:s16], $0x8000  }
0x129: {  	[sflag:s16] =	ssyncset.done $0x0  }
0x12a: {  	s2 =	simm.s32 $0x80;
	s17 =	rddreg [dreg:$0x9];
	[sflag:s16] =	ssyncadd.s32 $0xFFFF8000  }
0x12b: {  	[tilespmem:s2], [sflag:$0x5] =	stream.linear.gather [hbm4b:s17+s3], $0x80, $0x38;
	[tilespmem:$0x10100] =	vst v63  }
0x12c: {  	_ =	swait.ge [sflag:s5], $0x80  }
0x12d: {  	[sflag:s5] =	ssyncset.done $0x0  }
0x12e: {  	[sflag:s5] =	ssyncadd.s32 $0xFFFFFF80  }
0x12f: {  	v3 =	vld [tilespmem:$0x80];
	_ =	sdelay $0x4  }
0x130: {  	v56 =	vshll.u32 v3, $0x1  }
0x131: {  	v3 =	vand.u32 $0x7, v3;
	v4 =	vand.u32 $0xFFFFFFF0, v56  }
0x132: {  	v3 =	vor.u32 v3, v4  }
0x133: {  	v4 =	vperm.xlane v3, v0;
	_ =	sdelay $0x1  }
0x134: {  	v3 =	vperm.xlane v3, v2;
	v4 =	vadd.s32 v1, v4;
	_ =	sdelay $0x1  }
0x135: {  	v3 =	vadd.s32 v1, v3;
	_ =	sdelay $0x2  }
0x136: {  	[tilespmem:s0], [sflag:$0x2] =	stream.indirect_vreg.gather [hbm4b:s1+s3], $0x80, v4, vm0, $0xb8;
	[tilespmem:$0x10100] =	vst v63  }
0x137: {  	_ = 	snop  }
0x138: {  	[tilespmem:s9], [sflag:$0x2] =	stream.indirect_vreg.gather [hbm4b:s1+s3], $0x80, v3, vm0, $0xb8;
	[tilespmem:$0x10100] =	vst v63  }
0x139: {  	v3 =	vld [tilespmem:$0x90];
	_ =	sdelay $0x4  }
0x13a: {  	v57 =	vshll.u32 v3, $0x1  }
0x13b: {  	v3 =	vand.u32 $0x7, v3;
	v4 =	vand.u32 $0xFFFFFFF0, v57  }
0x13c: {  	v3 =	vor.u32 v3, v4  }
0x13d: {  	v4 =	vperm.xlane v3, v0;
	_ =	sdelay $0x1  }
0x13e: {  	v3 =	vperm.xlane v3, v2;
	v4 =	vadd.s32 v1, v4;
	_ =	sdelay $0x1  }
0x13f: {  	v3 =	vadd.s32 v1, v3;
	_ =	sdelay $0x2  }
0x140: {  	[tilespmem:s10], [sflag:$0x2] =	stream.indirect_vreg.gather [hbm4b:s1+s3], $0x80, v4, vm0, $0xb8;
	[tilespmem:$0x10100] =	vst v63  }
0x141: {  	_ = 	snop  }
0x142: {  	[tilespmem:s11], [sflag:$0x2] =	stream.indirect_vreg.gather [hbm4b:s1+s3], $0x80, v3, vm0, $0xb8;
	[tilespmem:$0x10100] =	vst v63  }
0x143: {  	v3 =	vld [tilespmem:$0xA0];
	_ =	sdelay $0x4  }
0x144: {  	v58 =	vshll.u32 v3, $0x1  }
0x145: {  	v3 =	vand.u32 $0x7, v3;
	v4 =	vand.u32 $0xFFFFFFF0, v58  }
0x146: {  	v3 =	vor.u32 v3, v4  }
0x147: {  	v4 =	vperm.xlane v3, v0;
	_ =	sdelay $0x1  }
0x148: {  	v3 =	vperm.xlane v3, v2;
	v4 =	vadd.s32 v1, v4;
	_ =	sdelay $0x1  }
0x149: {  	v3 =	vadd.s32 v1, v3;
	_ =	sdelay $0x2  }
0x14a: {  	[tilespmem:s12], [sflag:$0x2] =	stream.indirect_vreg.gather [hbm4b:s1+s3], $0x80, v4, vm0, $0xb8;
	[tilespmem:$0x10100] =	vst v63  }
0x14b: {  	_ = 	snop  }
0x14c: {  	[tilespmem:s23], [sflag:$0x2] =	stream.indirect_vreg.gather [hbm4b:s1+s3], $0x80, v3, vm0, $0xb8;
	[tilespmem:$0x10100] =	vst v63  }
0x14d: {  	v3 =	vld [tilespmem:$0xB0];
	_ =	sdelay $0x4  }
0x14e: {  	v59 =	vshll.u32 v3, $0x1  }
0x14f: {  	v3 =	vand.u32 $0x7, v3;
	v4 =	vand.u32 $0xFFFFFFF0, v59  }
0x150: {  	v3 =	vor.u32 v3, v4  }
0x151: {  	v4 =	vperm.xlane v3, v0;
	_ =	sdelay $0x1  }
0x152: {  	v3 =	vperm.xlane v3, v2;
	v4 =	vadd.s32 v1, v4;
	_ =	sdelay $0x1  }
0x153: {  	v3 =	vadd.s32 v1, v3;
	_ =	sdelay $0x1  }
0x154: {  	s17 =	simm.s32 $0xB100  }
0x155: {  	[tilespmem:s17], [sflag:$0x2] =	stream.indirect_vreg.gather [hbm4b:s1+s3], $0x80, v4, vm0, $0xb8;
	[tilespmem:$0x10100] =	vst v63  }
0x156: {  	s17 =	simm.s32 $0xB900  }
0x157: {  	[tilespmem:s17], [sflag:$0x2] =	stream.indirect_vreg.gather [hbm4b:s1+s3], $0x80, v3, vm0, $0xb8;
	[tilespmem:$0x10100] =	vst v63  }
0x158: {  	v3 =	vld [tilespmem:$0xC0];
	_ =	sdelay $0x4  }
0x159: {  	v60 =	vshll.u32 v3, $0x1  }
0x15a: {  	v3 =	vand.u32 $0x7, v3;
	v4 =	vand.u32 $0xFFFFFFF0, v60  }
0x15b: {  	v3 =	vor.u32 v3, v4  }
0x15c: {  	v4 =	vperm.xlane v3, v0;
	_ =	sdelay $0x1  }
0x15d: {  	v3 =	vperm.xlane v3, v2;
	v4 =	vadd.s32 v1, v4;
	_ =	sdelay $0x1  }
0x15e: {  	v3 =	vadd.s32 v1, v3;
	_ =	sdelay $0x1  }
0x15f: {  	s17 =	simm.s32 $0xC100  }
0x160: {  	[tilespmem:s17], [sflag:$0x2] =	stream.indirect_vreg.gather [hbm4b:s1+s3], $0x80, v4, vm0, $0xb8;
	[tilespmem:$0x10100] =	vst v63  }
0x161: {  	s17 =	simm.s32 $0xC900  }
0x162: {  	[tilespmem:s17], [sflag:$0x2] =	stream.indirect_vreg.gather [hbm4b:s1+s3], $0x80, v3, vm0, $0xb8;
	[tilespmem:$0x10100] =	vst v63  }
0x163: {  	v3 =	vld [tilespmem:$0xD0];
	_ =	sdelay $0x4  }
0x164: {  	v61 =	vshll.u32 v3, $0x1  }
0x165: {  	v3 =	vand.u32 $0x7, v3;
	v4 =	vand.u32 $0xFFFFFFF0, v61  }
0x166: {  	v3 =	vor.u32 v3, v4  }
0x167: {  	v4 =	vperm.xlane v3, v0;
	_ =	sdelay $0x1  }
0x168: {  	v3 =	vperm.xlane v3, v2;
	v4 =	vadd.s32 v1, v4;
	_ =	sdelay $0x1  }
0x169: {  	v3 =	vadd.s32 v1, v3;
	_ =	sdelay $0x1  }
0x16a: {  	s17 =	simm.s32 $0xD100  }
0x16b: {  	[tilespmem:s17], [sflag:$0x2] =	stream.indirect_vreg.gather [hbm4b:s1+s3], $0x80, v4, vm0, $0xb8;
	[tilespmem:$0x10100] =	vst v63  }
0x16c: {  	s17 =	simm.s32 $0xD900  }
0x16d: {  	[tilespmem:s17], [sflag:$0x2] =	stream.indirect_vreg.gather [hbm4b:s1+s3], $0x80, v3, vm0, $0xb8;
	[tilespmem:$0x10100] =	vst v63  }
0x16e: {  	v3 =	vld [tilespmem:$0xE0];
	_ =	sdelay $0x4  }
0x16f: {  	v62 =	vshll.u32 v3, $0x1  }
0x170: {  	v3 =	vand.u32 $0x7, v3;
	v4 =	vand.u32 $0xFFFFFFF0, v62  }
0x171: {  	v3 =	vor.u32 v3, v4  }
0x172: {  	v4 =	vperm.xlane v3, v0;
	_ =	sdelay $0x1  }
0x173: {  	v3 =	vperm.xlane v3, v2;
	v4 =	vadd.s32 v1, v4;
	_ =	sdelay $0x1  }
0x174: {  	v3 =	vadd.s32 v1, v3;
	_ =	sdelay $0x1  }
0x175: {  	s17 =	simm.s32 $0xE100  }
0x176: {  	[tilespmem:s17], [sflag:$0x2] =	stream.indirect_vreg.gather [hbm4b:s1+s3], $0x80, v4, vm0, $0xb8;
	[tilespmem:$0x10100] =	vst v63  }
0x177: {  	s17 =	simm.s32 $0xE900  }
0x178: {  	[tilespmem:s17], [sflag:$0x2] =	stream.indirect_vreg.gather [hbm4b:s1+s3], $0x80, v3, vm0, $0xb8;
	[tilespmem:$0x10100] =	vst v63  }
0x179: {  	v3 =	vld [tilespmem:$0xF0];
	_ =	sdelay $0x4  }
0x17a: {  	v63 =	vshll.u32 v3, $0x1  }
0x17b: {  	v3 =	vand.u32 $0x7, v3;
	v4 =	vand.u32 $0xFFFFFFF0, v63  }
0x17c: {  	v3 =	vor.u32 v3, v4  }
0x17d: {  	v4 =	vperm.xlane v3, v0;
	_ =	sdelay $0x1  }
0x17e: {  	v3 =	vperm.xlane v3, v2;
	v4 =	vadd.s32 v1, v4;
	_ =	sdelay $0x1  }
0x17f: {  	v3 =	vadd.s32 v1, v3;
	_ =	sdelay $0x1  }
0x180: {  	s17 =	simm.s32 $0xF100  }
0x181: {  	[tilespmem:s17], [sflag:$0x2] =	stream.indirect_vreg.gather [hbm4b:s1+s3], $0x80, v4, vm0, $0xb8;
	[tilespmem:$0x10100] =	vst v63  }
0x182: {  	s17 =	simm.s32 $0xF900  }
0x183: {  	[tilespmem:s17], [sflag:$0x2] =	stream.indirect_vreg.gather [hbm4b:s1+s3], $0x80, v3, vm0, $0xb8;
	[tilespmem:$0x10100] =	vst v63  }
0x184: {  	_ =	swait.ge [sflag:s8], $0x8000  }
0x185: {  	[sflag:s8] =	ssyncset.done $0x0  }
0x186: {  	s13 =	simm.s32 $0x100;
	s2 =	rddreg [dreg:$0xa];
	[sflag:s8] =	ssyncadd.s32 $0xFFFF8000  }
0x187: {  	[hbm4b:s2+s3] =	stream.linear.scatter [tilespmem:s13], [sflag:$0x3], $0x8000, $0x38;
	[tilespmem:$0x10100] =	vst v63  }
0x188: {  	_ =	swait.ge [sflag:s15], $0x8000  }
0x189: {  	[sflag:s15] =	ssyncset.done $0x0  }
0x18a: {  	s13 =	rddreg [dreg:$0xb];
	[sflag:s15] =	ssyncadd.s32 $0xFFFF8000  }
0x18b: {  	[hbm4b:s13+s3] =	stream.linear.scatter [tilespmem:s0], [sflag:$0x4], $0x8000, $0x38;
	[tilespmem:$0x10100] =	vst v63  }
0x18c: {  	p0 =	sne.s32 s4, $0x1;
	_ =	swait.ge [sflag:s14], $0x8000  }
.Ltmp0:
0x18d: {  	[sflag:s14] =	ssyncset.done $0x0;
	(pc) =	sbr.rel @p0 .LBB2_1-.Ltmp0, $4  }
0x18e: {  	[sflag:s14] =	ssyncadd.s32 $0xFFFF8000  }
0x18f: {  	_ =	swait.ge [sflag:s16], $0x8000  }
0x190: {  	[sflag:s16] =	ssyncset.done $0x0  }
0x191: {  	s4 =	sadd.s32 $0xFFFFFFFF, s4;
	[sflag:s16] =	ssyncadd.s32 $0xFFFF8000  }
0x192: {  	_ =	sfence.sel $0x180000  }
0x193: {  	[bflag:$0x0] =	sbarrier.arrive $0xFFFF  }
0x194: {  	_ =	strace $0x90000047  }
0x195: {  	s0 =	stileid.u32;
	[bflag:$0x2] =	sbarrier.arrive $0xFFFF  }
0x196: {  	p0 =	sne.s32 s0, $0x0;
	s0 =	rddreg [dreg:$0x3]  }
0x197: {  	s0 =	sadd.s32 @!p0 $0x100000, s0  }
0x198: {  	[sflag:s0] =	ssyncadd.tile.s32 @!p0 $0x1;
	_ =	shalt  }
.Lfunc_end2:
_tile_overlayer_lowered:
.L_overlay_start_2:
0x199: {  	(tag) =	ssettag $0x2  }
0x19a: {  	s0 =	rddreg [dreg:$0x0];
	s2 =	stileid.u32  }
0x19b: {  	s1 =	rddreg [dreg:$0x1];
	p0 =	sne.s32 s2, $0x0  }
0x19c: {  	s3 =	rddreg [dreg:$0x2];
	[bflag:$0x3] =	sbarrier.arrive $0xFFFF;
	s2 =	simm.s32 @!p0 $0x1C05  }
0x19d: {  	[timem:s3], [sflag:s2] =	dma.local @!p0 [hbm:s0], s1  }
0x19e: {  	s0 =	simm.s32 @!p0 $0x5  }
0x19f: {  	_ =	swait.ge @!p0 [sflag:s0], s1  }
0x1a0: {  	s1 =	ssub.s32 @!p0 $0x0, s1;
	[sflag:s0] =	ssyncset.done @!p0 $0x0  }
0x1a1: {  	[sflag:s0] =	ssyncadd.s32 @!p0 s1  }
0x1a2: {  	[bflag:$0x3] =	sbarrier.arrive $0xFFFF  }
0x1a3: {  	_ =	shalt  }

</sc_bundles>
